<compile_context>
chip_gen: v7x
topology: tpu7x:2x2x1
jax: 0.10.2.dev20260603
libtpu: 0.0.44.dev20260713+nightly
codegen_flags: <defaults>
</compile_context>

<pallas_src>
import jax
import jax.numpy as jnp
from jax import lax
from jax.experimental import pallas as pl
from jax.experimental.pallas import tpu as pltpu
from jax.experimental.pallas import tpu_sc as plsc

BATCH = 4096
HIST = 200
EMBED = 128
TOT = BATCH * HIST
NC, NS = 2, 16
NW = NC * NS
ROWS_PW = TOT // NW
G = 128
CH = ROWS_PW // G
NBUF = 4
DIRECT_BS = (0, 2)
SPMEM_BS = tuple(b for b in range(NBUF) if b not in DIRECT_BS)
SBUF = 2


def _body(x_hbm, table_hbm, out_hbm, idx_v, shared_v, bufs,
          gsems, csems, dsems, wsem):
    wid = lax.axis_index("s") * NC + lax.axis_index("c")
    sid = lax.axis_index("s")
    idx_row0 = wid * CH
    out_row0 = wid * ROWS_PW

    pltpu.sync_copy(x_hbm.at[pl.ds(idx_row0, CH)], idx_v)

    for b in range(NBUF):
        pltpu.async_copy(table_hbm.at[idx_v.at[b]], bufs[b], gsems[b])

    def slot_rows(k):
        return pl.multiple_of((sid * SBUF + k) * G, G)

    @pl.loop(0, CH // NBUF)
    def _step(s):
        for b in range(NBUF):
            j = s * NBUF + b
            off = pl.multiple_of(out_row0 + j * G, G)
            pltpu.make_async_copy(
                table_hbm.at[idx_v.at[j]], bufs[b], gsems[b]).wait()
            if b in DIRECT_BS:
                pltpu.async_copy(bufs[b], out_hbm.at[pl.ds(off, G)],
                                 wsem).wait()
            else:
                i = SPMEM_BS.index(b)
                k = i % SBUF
                srow = slot_rows(k)
                def _wait_drain():
                    pltpu.make_async_copy(
                        shared_v.at[pl.ds(srow, G)],
                        out_hbm.at[pl.ds(off, G)], dsems[k]).wait()

                if i < SBUF:
                    pl.when(s > 0)(_wait_drain)
                else:
                    _wait_drain()
                pltpu.async_copy(bufs[b], shared_v.at[pl.ds(srow, G)],
                                 csems[k]).wait()
                pltpu.async_copy(shared_v.at[pl.ds(srow, G)],
                                 out_hbm.at[pl.ds(off, G)], dsems[k])
            nxt = j + NBUF

            @pl.when(nxt < CH)
            def _():
                pltpu.async_copy(
                    table_hbm.at[idx_v.at[nxt]], bufs[b], gsems[b])

    for k in range(SBUF):
        pltpu.make_async_copy(
            shared_v.at[pl.ds(slot_rows(k), G)],
            out_hbm.at[pl.ds(pl.multiple_of(out_row0, G), G)],
            dsems[k]).wait()


def _flat_body(x_hbm, table_hbm, out_hbm, idx_v, shared_v, buf_v, sems):
    bufs = [buf_v.at[b] for b in range(NBUF)]
    gsems = [sems.at[i] for i in range(NBUF)]
    csems = [sems.at[NBUF + k] for k in range(SBUF)]
    dsems = [sems.at[NBUF + SBUF + k] for k in range(SBUF)]
    wsem = sems.at[NBUF + 2 * SBUF]
    _body(x_hbm, table_hbm, out_hbm, idx_v, shared_v, bufs,
          gsems, csems, dsems, wsem)


@jax.jit
def _embed(x2d, table):
    mesh = plsc.VectorSubcoreMesh(
        core_axis_name="c", subcore_axis_name="s",
        num_cores=NC, num_subcores=NS)
    scratch = (
        [pltpu.VMEM((CH, G), jnp.int32),
         pltpu.VMEM_SHARED((NS * SBUF * G, EMBED), jnp.float32),
         pltpu.VMEM((NBUF, G, EMBED), jnp.float32),
         pltpu.SemaphoreType.DMA((NBUF + 2 * SBUF + 1,))]
    )
    run = pl.kernel(
        _flat_body,
        out_type=jax.ShapeDtypeStruct((TOT, EMBED), jnp.float32),
        mesh=mesh,
        scratch_types=scratch,
    )
    return run(x2d, table)


def kernel(x, table):
    x2d = x.reshape(TOT // G, G).astype(jnp.int32)
    out = _embed(x2d, table)
    return out.reshape(BATCH, HIST, EMBED)

# --- scband reference (transcript-rebuilt; emitter-appended) ---
"""Pipeline reference for scband-word-embedding-25426206392329 (READ-ONLY COPY).

The authoritative reference and input builder live on the scoring server;
editing this copy changes nothing except your own understanding.
"""

import jax, jax.numpy as jnp
import numpy as np

VOCAB_SIZE = 100000
EMBED_DIM = 128
BATCH = 4096
HIST = 200
SCALE = 0.1

def setup_inputs(seed: int = 0) -> dict:
    key = jax.random.key(seed)
    k_idx, k_tab = jax.random.split(key)
    x = jax.random.randint(k_idx, (BATCH, HIST), 0, VOCAB_SIZE, dtype=jnp.int64 if jax.config.jax_enable_x64 else jnp.int32)
    # init_method == 'normal': N(0, scale); padding_idx=0 row is zeroed (torch nn.Embedding semantics)
    table = SCALE * jax.random.normal(k_tab, (VOCAB_SIZE, EMBED_DIM), dtype=jnp.float32)
    table = table.at[0].set(0.0)
    return {"x": x, "table": table}

def reference(x, table):
    # WordEmbedding.forward: self.embedding(x) with padding_idx=0.
    # Gather rows; mask positions where idx == 0 (padding row is the zero vector).
    emb = jnp.take(table, x, axis=0)
    mask = (x != 0).astype(emb.dtype)[..., None]
    return emb * mask

if __name__ == "__main__":
    import jax
    _d = setup_inputs()
    print(jax.jit(kernel)(*tuple(_d.values())))

</pallas_src>

<mosaic_0001>
#map = affine_map<(d0, d1) -> (0, 0)>
module attributes {stable_mosaic.version = 14 : i64} {
  func.func @_flat_body(%arg0: i32, %arg1: i32, %arg2: memref<6400x128xi32, #tpu.memory_space<hbm>>, %arg3: memref<100000x128xf32, #tpu.memory_space<hbm>>, %arg4: memref<819200x128xf32, #tpu.memory_space<hbm>>, %arg5: memref<200x128xi32, #tpu.memory_space<vmem>>, %arg6: memref<4096x128xf32, #tpu.memory_space<vmem_shared>>, %arg7: memref<4x128x128xf32, #tpu.memory_space<vmem>>, %arg8: memref<9x!tpu.dma_semaphore, #tpu.memory_space<semaphore_mem>>) attributes {dimension_semantics = [#tpu.dimension_semantics<core_parallel>, #tpu.dimension_semantics<subcore_parallel>], iteration_bounds = array<i64: 2, 16>, scalar_prefetch = 0 : i64, scratch_operands = 4 : i64, tpu.core_type = #tpu.core_type<sc_vector_subcore>, window_params = [{transform_indices = #map}, {transform_indices = #map}, {transform_indices = #map}]} {
    %mul3A = arith.constant 2 : i32
    %mul3A_0 = arith.muli %arg1, %mul3A : i32
    %add3A = arith.addi %mul3A_0, %arg0 : i32
    %mul3A_1 = arith.constant 200 : i32
    %mul3A_2 = arith.muli %add3A, %mul3A_1 : i32
    %mul3A_3 = arith.constant 25600 : i32
    %mul3A_4 = arith.muli %add3A, %mul3A_3 : i32
    "tpu.region"() ({
      %run_scoped3A = tpu.sem_alloc : memref<!tpu.dma_semaphore, #tpu.memory_space<semaphore_mem>>
      %dma_start3A_109 = arith.constant 0 : i32
      %dma_start3A_110 = tpu.memref_slice %arg2[%mul3A_2, %dma_start3A_109] : memref<6400x128xi32, #tpu.memory_space<hbm>> -> memref<200x128xi32, #tpu.memory_space<hbm>>
      %dma_start3A_111 = arith.constant 0 : i32
      %dma_start3A_112 = tpu.memref_slice %arg2[%mul3A_2, %dma_start3A_111] : memref<6400x128xi32, #tpu.memory_space<hbm>> -> memref<200x128xi32, #tpu.memory_space<hbm>>
      tpu.enqueue_dma source(%dma_start3A_112 : memref<200x128xi32, #tpu.memory_space<hbm>>) target(%arg5 : memref<200x128xi32, #tpu.memory_space<vmem>>) target_semaphore(%run_scoped3A : memref<!tpu.dma_semaphore, #tpu.memory_space<semaphore_mem>>)
      %dma_wait3A_113 = arith.constant 0 : i32
      %dma_wait3A_114 = tpu.memref_slice %arg2[%mul3A_2, %dma_wait3A_113] : memref<6400x128xi32, #tpu.memory_space<hbm>> -> memref<200x128xi32, #tpu.memory_space<hbm>>
      %dma_wait3A_115 = arith.constant 0 : i32
      %dma_wait3A_116 = tpu.memref_slice %arg2[%mul3A_2, %dma_wait3A_115] : memref<6400x128xi32, #tpu.memory_space<hbm>> -> memref<200x128xi32, #tpu.memory_space<hbm>>
      tpu.wait_dma2 semaphore(%run_scoped3A : memref<!tpu.dma_semaphore, #tpu.memory_space<semaphore_mem>>) src(%dma_wait3A_116 : memref<200x128xi32, #tpu.memory_space<hbm>>) dst(%arg5 : memref<200x128xi32, #tpu.memory_space<vmem>>)
      tpu.yield
    }) : () -> ()
    %dma_start3A = arith.constant 0 : i32
    %dma_start3A_5 = arith.constant 0 : i32
    %dma_start3A_6 = arith.constant 0 : i32
    %dma_start3A_7 = arith.constant 0 : i32
    %dma_start3A_8 = arith.constant 0 : i32
    %dma_start3A_9 = tpu.memref_slice %arg7[%dma_start3A_5, %dma_start3A_7, %dma_start3A_8] : memref<4x128x128xf32, #tpu.memory_space<vmem>> -> memref<1x128x128xf32, #tpu.memory_space<vmem>>
    %dma_start3A_10 = tpu.memref_squeeze %dma_start3A_9 : memref<1x128x128xf32, #tpu.memory_space<vmem>> -> memref<128x128xf32, #tpu.memory_space<vmem>>
    %dma_start3A_11 = arith.constant 0 : i32
    %dma_start3A_12 = tpu.memref_slice %arg5[%dma_start3A, %dma_start3A_11] : memref<200x128xi32, #tpu.memory_space<vmem>> -> memref<1x128xi32, #tpu.memory_space<vmem>>
    %dma_start3A_13 = tpu.memref_squeeze %dma_start3A_12 : memref<1x128xi32, #tpu.memory_space<vmem>> -> memref<128xi32, #tpu.memory_space<vmem>>
    %dma_start3A_14 = arith.constant 0 : i32
    %dma_start3A_15 = arith.constant 0 : i32
    %dma_start3A_16 = tpu.memref_slice %arg3[%dma_start3A_14, %dma_start3A_15] : memref<100000x128xf32, #tpu.memory_space<hbm>> -> memref<100000x128xf32, #tpu.memory_space<hbm>>
    %dma_start3A_17 = tpu.memref_slice %arg8[%dma_start3A_6] : memref<9x!tpu.dma_semaphore, #tpu.memory_space<semaphore_mem>> -> memref<1x!tpu.dma_semaphore, #tpu.memory_space<semaphore_mem>>
    %dma_start3A_18 = tpu.memref_squeeze %dma_start3A_17 : memref<1x!tpu.dma_semaphore, #tpu.memory_space<semaphore_mem>> -> memref<!tpu.dma_semaphore, #tpu.memory_space<semaphore_mem>>
    tpu.enqueue_indirect_dma source(%dma_start3A_16 : memref<100000x128xf32, #tpu.memory_space<hbm>>) target(%dma_start3A_10 : memref<128x128xf32, #tpu.memory_space<vmem>>) offsets(%dma_start3A_13 : memref<128xi32, #tpu.memory_space<vmem>>) semaphore(%dma_start3A_18 : memref<!tpu.dma_semaphore, #tpu.memory_space<semaphore_mem>>)
    %dma_start3A_19 = arith.constant 1 : i32
    %dma_start3A_20 = arith.constant 1 : i32
    %dma_start3A_21 = arith.constant 1 : i32
    %dma_start3A_22 = arith.constant 0 : i32
    %dma_start3A_23 = arith.constant 0 : i32
    %dma_start3A_24 = tpu.memref_slice %arg7[%dma_start3A_20, %dma_start3A_22, %dma_start3A_23] : memref<4x128x128xf32, #tpu.memory_space<vmem>> -> memref<1x128x128xf32, #tpu.memory_space<vmem>>
    %dma_start3A_25 = tpu.memref_squeeze %dma_start3A_24 : memref<1x128x128xf32, #tpu.memory_space<vmem>> -> memref<128x128xf32, #tpu.memory_space<vmem>>
    %dma_start3A_26 = arith.constant 0 : i32
    %dma_start3A_27 = tpu.memref_slice %arg5[%dma_start3A_19, %dma_start3A_26] : memref<200x128xi32, #tpu.memory_space<vmem>> -> memref<1x128xi32, #tpu.memory_space<vmem>>
    %dma_start3A_28 = tpu.memref_squeeze %dma_start3A_27 : memref<1x128xi32, #tpu.memory_space<vmem>> -> memref<128xi32, #tpu.memory_space<vmem>>
    %dma_start3A_29 = arith.constant 0 : i32
    %dma_start3A_30 = arith.constant 0 : i32
    %dma_start3A_31 = tpu.memref_slice %arg3[%dma_start3A_29, %dma_start3A_30] : memref<100000x128xf32, #tpu.memory_space<hbm>> -> memref<100000x128xf32, #tpu.memory_space<hbm>>
    %dma_start3A_32 = tpu.memref_slice %arg8[%dma_start3A_21] : memref<9x!tpu.dma_semaphore, #tpu.memory_space<semaphore_mem>> -> memref<1x!tpu.dma_semaphore, #tpu.memory_space<semaphore_mem>>
    %dma_start3A_33 = tpu.memref_squeeze %dma_start3A_32 : memref<1x!tpu.dma_semaphore, #tpu.memory_space<semaphore_mem>> -> memref<!tpu.dma_semaphore, #tpu.memory_space<semaphore_mem>>
    tpu.enqueue_indirect_dma source(%dma_start3A_31 : memref<100000x128xf32, #tpu.memory_space<hbm>>) target(%dma_start3A_25 : memref<128x128xf32, #tpu.memory_space<vmem>>) offsets(%dma_start3A_28 : memref<128xi32, #tpu.memory_space<vmem>>) semaphore(%dma_start3A_33 : memref<!tpu.dma_semaphore, #tpu.memory_space<semaphore_mem>>)
    %dma_start3A_34 = arith.constant 2 : i32
    %dma_start3A_35 = arith.constant 2 : i32
    %dma_start3A_36 = arith.constant 2 : i32
    %dma_start3A_37 = arith.constant 0 : i32
    %dma_start3A_38 = arith.constant 0 : i32
    %dma_start3A_39 = tpu.memref_slice %arg7[%dma_start3A_35, %dma_start3A_37, %dma_start3A_38] : memref<4x128x128xf32, #tpu.memory_space<vmem>> -> memref<1x128x128xf32, #tpu.memory_space<vmem>>
    %dma_start3A_40 = tpu.memref_squeeze %dma_start3A_39 : memref<1x128x128xf32, #tpu.memory_space<vmem>> -> memref<128x128xf32, #tpu.memory_space<vmem>>
    %dma_start3A_41 = arith.constant 0 : i32
    %dma_start3A_42 = tpu.memref_slice %arg5[%dma_start3A_34, %dma_start3A_41] : memref<200x128xi32, #tpu.memory_space<vmem>> -> memref<1x128xi32, #tpu.memory_space<vmem>>
    %dma_start3A_43 = tpu.memref_squeeze %dma_start3A_42 : memref<1x128xi32, #tpu.memory_space<vmem>> -> memref<128xi32, #tpu.memory_space<vmem>>
    %dma_start3A_44 = arith.constant 0 : i32
    %dma_start3A_45 = arith.constant 0 : i32
    %dma_start3A_46 = tpu.memref_slice %arg3[%dma_start3A_44, %dma_start3A_45] : memref<100000x128xf32, #tpu.memory_space<hbm>> -> memref<100000x128xf32, #tpu.memory_space<hbm>>
    %dma_start3A_47 = tpu.memref_slice %arg8[%dma_start3A_36] : memref<9x!tpu.dma_semaphore, #tpu.memory_space<semaphore_mem>> -> memref<1x!tpu.dma_semaphore, #tpu.memory_space<semaphore_mem>>
    %dma_start3A_48 = tpu.memref_squeeze %dma_start3A_47 : memref<1x!tpu.dma_semaphore, #tpu.memory_space<semaphore_mem>> -> memref<!tpu.dma_semaphore, #tpu.memory_space<semaphore_mem>>
    tpu.enqueue_indirect_dma source(%dma_start3A_46 : memref<100000x128xf32, #tpu.memory_space<hbm>>) target(%dma_start3A_40 : memref<128x128xf32, #tpu.memory_space<vmem>>) offsets(%dma_start3A_43 : memref<128xi32, #tpu.memory_space<vmem>>) semaphore(%dma_start3A_48 : memref<!tpu.dma_semaphore, #tpu.memory_space<semaphore_mem>>)
    %dma_start3A_49 = arith.constant 3 : i32
    %dma_start3A_50 = arith.constant 3 : i32
    %dma_start3A_51 = arith.constant 3 : i32
    %dma_start3A_52 = arith.constant 0 : i32
    %dma_start3A_53 = arith.constant 0 : i32
    %dma_start3A_54 = tpu.memref_slice %arg7[%dma_start3A_50, %dma_start3A_52, %dma_start3A_53] : memref<4x128x128xf32, #tpu.memory_space<vmem>> -> memref<1x128x128xf32, #tpu.memory_space<vmem>>
    %dma_start3A_55 = tpu.memref_squeeze %dma_start3A_54 : memref<1x128x128xf32, #tpu.memory_space<vmem>> -> memref<128x128xf32, #tpu.memory_space<vmem>>
    %dma_start3A_56 = arith.constant 0 : i32
    %dma_start3A_57 = tpu.memref_slice %arg5[%dma_start3A_49, %dma_start3A_56] : memref<200x128xi32, #tpu.memory_space<vmem>> -> memref<1x128xi32, #tpu.memory_space<vmem>>
    %dma_start3A_58 = tpu.memref_squeeze %dma_start3A_57 : memref<1x128xi32, #tpu.memory_space<vmem>> -> memref<128xi32, #tpu.memory_space<vmem>>
    %dma_start3A_59 = arith.constant 0 : i32
    %dma_start3A_60 = arith.constant 0 : i32
    %dma_start3A_61 = tpu.memref_slice %arg3[%dma_start3A_59, %dma_start3A_60] : memref<100000x128xf32, #tpu.memory_space<hbm>> -> memref<100000x128xf32, #tpu.memory_space<hbm>>
    %dma_start3A_62 = tpu.memref_slice %arg8[%dma_start3A_51] : memref<9x!tpu.dma_semaphore, #tpu.memory_space<semaphore_mem>> -> memref<1x!tpu.dma_semaphore, #tpu.memory_space<semaphore_mem>>
    %dma_start3A_63 = tpu.memref_squeeze %dma_start3A_62 : memref<1x!tpu.dma_semaphore, #tpu.memory_space<semaphore_mem>> -> memref<!tpu.dma_semaphore, #tpu.memory_space<semaphore_mem>>
    tpu.enqueue_indirect_dma source(%dma_start3A_61 : memref<100000x128xf32, #tpu.memory_space<hbm>>) target(%dma_start3A_55 : memref<128x128xf32, #tpu.memory_space<vmem>>) offsets(%dma_start3A_58 : memref<128xi32, #tpu.memory_space<vmem>>) semaphore(%dma_start3A_63 : memref<!tpu.dma_semaphore, #tpu.memory_space<semaphore_mem>>)
    %scan3A = arith.constant 0 : i32
    %scan3A_64 = arith.constant 0 : i32
    %scan3A_65 = arith.constant 8 : i32
    %scan3A_66 = arith.constant 1 : i32
    %scan3A_67 = arith.constant 1 : i32
    %scan3A_68 = arith.constant 6 : i32
    %scan3A_69 = arith.constant 4 : i32
    %scan3A_70 = arith.constant 2 : i32
    %scan3A_71 = arith.constant 2 : i32
    %scan3A_72 = arith.constant 3 : i32
    %scan3A_73 = arith.constant 3 : i32
    %scan3A_74 = arith.constant 7 : i32
    %scan3A_75 = arith.constant 5 : i32
    %scan3A_76 = arith.constant 0 : i32
    %scan3A_77 = arith.constant 50 : i32
    %scan3A_78 = arith.addi %scan3A_76, %scan3A_77 : i32
    %scan3A_79 = arith.constant 1 : i32
    scf.for %scan3A_109 = %scan3A_76 to %scan3A_78 step %scan3A_79  : i32 {
      %mul3A_110 = arith.constant 1 : i32
      %mul3A_111 = arith.muli %scan3A_109, %mul3A_110 : i32
      %add3A_112 = arith.constant 0 : i32
      %add3A_113 = arith.addi %add3A_112, %mul3A_111 : i32
      %mul3A_114 = arith.constant 4 : i32
      %mul3A_115 = arith.muli %add3A_113, %mul3A_114 : i32
      %add3A_116 = arith.constant 0 : i32
      %add3A_117 = arith.addi %mul3A_115, %add3A_116 : i32
      %mul3A_118 = arith.constant 128 : i32
      %mul3A_119 = arith.muli %add3A_117, %mul3A_118 : i32
      %add3A_120 = arith.addi %mul3A_4, %mul3A_119 : i32
      %multiple_of3A_121 = tpu.assume_multiple %add3A_120, 128 : i32
      %dma_wait3A_122 = arith.constant 0 : i32
      %dma_wait3A_123 = arith.constant 0 : i32
      %dma_wait3A_124 = tpu.memref_slice %arg7[%scan3A, %dma_wait3A_122, %dma_wait3A_123] : memref<4x128x128xf32, #tpu.memory_space<vmem>> -> memref<1x128x128xf32, #tpu.memory_space<vmem>>
      %dma_wait3A_125 = tpu.memref_squeeze %dma_wait3A_124 : memref<1x128x128xf32, #tpu.memory_space<vmem>> -> memref<128x128xf32, #tpu.memory_space<vmem>>
      %dma_wait3A_126 = arith.constant 0 : i32
      %dma_wait3A_127 = tpu.memref_slice %arg5[%add3A_117, %dma_wait3A_126] : memref<200x128xi32, #tpu.memory_space<vmem>> -> memref<1x128xi32, #tpu.memory_space<vmem>>
      %dma_wait3A_128 = tpu.memref_squeeze %dma_wait3A_127 : memref<1x128xi32, #tpu.memory_space<vmem>> -> memref<128xi32, #tpu.memory_space<vmem>>
      %dma_wait3A_129 = arith.constant 0 : i32
      %dma_wait3A_130 = arith.constant 0 : i32
      %dma_wait3A_131 = tpu.memref_slice %arg3[%dma_wait3A_129, %dma_wait3A_130] : memref<100000x128xf32, #tpu.memory_space<hbm>> -> memref<100000x128xf32, #tpu.memory_space<hbm>>
      %dma_wait3A_132 = tpu.memref_slice %arg8[%scan3A_64] : memref<9x!tpu.dma_semaphore, #tpu.memory_space<semaphore_mem>> -> memref<1x!tpu.dma_semaphore, #tpu.memory_space<semaphore_mem>>
      %dma_wait3A_133 = tpu.memref_squeeze %dma_wait3A_132 : memref<1x!tpu.dma_semaphore, #tpu.memory_space<semaphore_mem>> -> memref<!tpu.dma_semaphore, #tpu.memory_space<semaphore_mem>>
      tpu.wait_indirect_dma semaphore(%dma_wait3A_133 : memref<!tpu.dma_semaphore, #tpu.memory_space<semaphore_mem>>) src(%dma_wait3A_131 : memref<100000x128xf32, #tpu.memory_space<hbm>>) dst(%dma_wait3A_125 : memref<128x128xf32, #tpu.memory_space<vmem>>)
      %dma_start3A_134 = arith.constant 0 : i32
      %dma_start3A_135 = arith.constant 0 : i32
      %dma_start3A_136 = tpu.memref_slice %arg7[%scan3A, %dma_start3A_134, %dma_start3A_135] : memref<4x128x128xf32, #tpu.memory_space<vmem>> -> memref<1x128x128xf32, #tpu.memory_space<vmem>>
      %dma_start3A_137 = tpu.memref_squeeze %dma_start3A_136 : memref<1x128x128xf32, #tpu.memory_space<vmem>> -> memref<128x128xf32, #tpu.memory_space<vmem>>
      %dma_start3A_138 = arith.constant 0 : i32
      %dma_start3A_139 = tpu.memref_slice %arg4[%multiple_of3A_121, %dma_start3A_138] : memref<819200x128xf32, #tpu.memory_space<hbm>> -> memref<128x128xf32, #tpu.memory_space<hbm>>
      %dma_start3A_140 = tpu.memref_slice %arg8[%scan3A_65] : memref<9x!tpu.dma_semaphore, #tpu.memory_space<semaphore_mem>> -> memref<1x!tpu.dma_semaphore, #tpu.memory_space<semaphore_mem>>
      %dma_start3A_141 = tpu.memref_squeeze %dma_start3A_140 : memref<1x!tpu.dma_semaphore, #tpu.memory_space<semaphore_mem>> -> memref<!tpu.dma_semaphore, #tpu.memory_space<semaphore_mem>>
      %dma_start3A_142 = arith.constant 0 : i32
      %dma_start3A_143 = tpu.memref_slice %arg4[%multiple_of3A_121, %dma_start3A_142] : memref<819200x128xf32, #tpu.memory_space<hbm>> -> memref<128x128xf32, #tpu.memory_space<hbm>>
      %dma_start3A_144 = arith.constant 0 : i32
      %dma_start3A_145 = arith.constant 0 : i32
      %dma_start3A_146 = tpu.memref_slice %arg7[%scan3A, %dma_start3A_144, %dma_start3A_145] : memref<4x128x128xf32, #tpu.memory_space<vmem>> -> memref<1x128x128xf32, #tpu.memory_space<vmem>>
      %dma_start3A_147 = tpu.memref_squeeze %dma_start3A_146 : memref<1x128x128xf32, #tpu.memory_space<vmem>> -> memref<128x128xf32, #tpu.memory_space<vmem>>
      tpu.enqueue_dma source(%dma_start3A_147 : memref<128x128xf32, #tpu.memory_space<vmem>>) target(%dma_start3A_143 : memref<128x128xf32, #tpu.memory_space<hbm>>) target_semaphore(%dma_start3A_141 : memref<!tpu.dma_semaphore, #tpu.memory_space<semaphore_mem>>)
      %dma_wait3A_148 = arith.constant 0 : i32
      %dma_wait3A_149 = arith.constant 0 : i32
      %dma_wait3A_150 = tpu.memref_slice %arg7[%scan3A, %dma_wait3A_148, %dma_wait3A_149] : memref<4x128x128xf32, #tpu.memory_space<vmem>> -> memref<1x128x128xf32, #tpu.memory_space<vmem>>
      %dma_wait3A_151 = tpu.memref_squeeze %dma_wait3A_150 : memref<1x128x128xf32, #tpu.memory_space<vmem>> -> memref<128x128xf32, #tpu.memory_space<vmem>>
      %dma_wait3A_152 = arith.constant 0 : i32
      %dma_wait3A_153 = tpu.memref_slice %arg4[%multiple_of3A_121, %dma_wait3A_152] : memref<819200x128xf32, #tpu.memory_space<hbm>> -> memref<128x128xf32, #tpu.memory_space<hbm>>
      %dma_wait3A_154 = tpu.memref_slice %arg8[%scan3A_65] : memref<9x!tpu.dma_semaphore, #tpu.memory_space<semaphore_mem>> -> memref<1x!tpu.dma_semaphore, #tpu.memory_space<semaphore_mem>>
      %dma_wait3A_155 = tpu.memref_squeeze %dma_wait3A_154 : memref<1x!tpu.dma_semaphore, #tpu.memory_space<semaphore_mem>> -> memref<!tpu.dma_semaphore, #tpu.memory_space<semaphore_mem>>
      %dma_wait3A_156 = arith.constant 0 : i32
      %dma_wait3A_157 = tpu.memref_slice %arg4[%multiple_of3A_121, %dma_wait3A_156] : memref<819200x128xf32, #tpu.memory_space<hbm>> -> memref<128x128xf32, #tpu.memory_space<hbm>>
      %dma_wait3A_158 = arith.constant 0 : i32
      %dma_wait3A_159 = arith.constant 0 : i32
      %dma_wait3A_160 = tpu.memref_slice %arg7[%scan3A, %dma_wait3A_158, %dma_wait3A_159] : memref<4x128x128xf32, #tpu.memory_space<vmem>> -> memref<1x128x128xf32, #tpu.memory_space<vmem>>
      %dma_wait3A_161 = tpu.memref_squeeze %dma_wait3A_160 : memref<1x128x128xf32, #tpu.memory_space<vmem>> -> memref<128x128xf32, #tpu.memory_space<vmem>>
      tpu.wait_dma2 semaphore(%dma_wait3A_155 : memref<!tpu.dma_semaphore, #tpu.memory_space<semaphore_mem>>) src(%dma_wait3A_161 : memref<128x128xf32, #tpu.memory_space<vmem>>) dst(%dma_wait3A_157 : memref<128x128xf32, #tpu.memory_space<hbm>>)
      %add3A_162 = arith.constant 4 : i32
      %add3A_163 = arith.addi %add3A_117, %add3A_162 : i32
      %lt3A = arith.constant 200 : i32
      %lt3A_164 = arith.cmpi slt, %add3A_163, %lt3A : i32
      %convert_element_type3A = arith.extui %lt3A_164 : i1 to i32
      %cond3A = arith.constant 0 : i32
      %cond3A_165 = arith.cmpi ne, %convert_element_type3A, %cond3A : i32
      scf.if %cond3A_165 {
        %dma_start3A_366 = arith.constant 0 : i32
        %dma_start3A_367 = arith.constant 0 : i32
        %dma_start3A_368 = tpu.memref_slice %arg7[%scan3A, %dma_start3A_366, %dma_start3A_367] : memref<4x128x128xf32, #tpu.memory_space<vmem>> -> memref<1x128x128xf32, #tpu.memory_space<vmem>>
        %dma_start3A_369 = tpu.memref_squeeze %dma_start3A_368 : memref<1x128x128xf32, #tpu.memory_space<vmem>> -> memref<128x128xf32, #tpu.memory_space<vmem>>
        %dma_start3A_370 = arith.constant 0 : i32
        %dma_start3A_371 = tpu.memref_slice %arg5[%add3A_163, %dma_start3A_370] : memref<200x128xi32, #tpu.memory_space<vmem>> -> memref<1x128xi32, #tpu.memory_space<vmem>>
        %dma_start3A_372 = tpu.memref_squeeze %dma_start3A_371 : memref<1x128xi32, #tpu.memory_space<vmem>> -> memref<128xi32, #tpu.memory_space<vmem>>
        %dma_start3A_373 = arith.constant 0 : i32
        %dma_start3A_374 = arith.constant 0 : i32
        %dma_start3A_375 = tpu.memref_slice %arg3[%dma_start3A_373, %dma_start3A_374] : memref<100000x128xf32, #tpu.memory_space<hbm>> -> memref<100000x128xf32, #tpu.memory_space<hbm>>
        %dma_start3A_376 = tpu.memref_slice %arg8[%scan3A_64] : memref<9x!tpu.dma_semaphore, #tpu.memory_space<semaphore_mem>> -> memref<1x!tpu.dma_semaphore, #tpu.memory_space<semaphore_mem>>
        %dma_start3A_377 = tpu.memref_squeeze %dma_start3A_376 : memref<1x!tpu.dma_semaphore, #tpu.memory_space<semaphore_mem>> -> memref<!tpu.dma_semaphore, #tpu.memory_space<semaphore_mem>>
        tpu.enqueue_indirect_dma source(%dma_start3A_375 : memref<100000x128xf32, #tpu.memory_space<hbm>>) target(%dma_start3A_369 : memref<128x128xf32, #tpu.memory_space<vmem>>) offsets(%dma_start3A_372 : memref<128xi32, #tpu.memory_space<vmem>>) semaphore(%dma_start3A_377 : memref<!tpu.dma_semaphore, #tpu.memory_space<semaphore_mem>>)
      } else {
      }
      %mul3A_166 = arith.constant 4 : i32
      %mul3A_167 = arith.muli %add3A_113, %mul3A_166 : i32
      %add3A_168 = arith.constant 1 : i32
      %add3A_169 = arith.addi %mul3A_167, %add3A_168 : i32
      %mul3A_170 = arith.constant 128 : i32
      %mul3A_171 = arith.muli %add3A_169, %mul3A_170 : i32
      %add3A_172 = arith.addi %mul3A_4, %mul3A_171 : i32
      %multiple_of3A_173 = tpu.assume_multiple %add3A_172, 128 : i32
      %dma_wait3A_174 = arith.constant 0 : i32
      %dma_wait3A_175 = arith.constant 0 : i32
      %dma_wait3A_176 = tpu.memref_slice %arg7[%scan3A_66, %dma_wait3A_174, %dma_wait3A_175] : memref<4x128x128xf32, #tpu.memory_space<vmem>> -> memref<1x128x128xf32, #tpu.memory_space<vmem>>
      %dma_wait3A_177 = tpu.memref_squeeze %dma_wait3A_176 : memref<1x128x128xf32, #tpu.memory_space<vmem>> -> memref<128x128xf32, #tpu.memory_space<vmem>>
      %dma_wait3A_178 = arith.constant 0 : i32
      %dma_wait3A_179 = tpu.memref_slice %arg5[%add3A_169, %dma_wait3A_178] : memref<200x128xi32, #tpu.memory_space<vmem>> -> memref<1x128xi32, #tpu.memory_space<vmem>>
      %dma_wait3A_180 = tpu.memref_squeeze %dma_wait3A_179 : memref<1x128xi32, #tpu.memory_space<vmem>> -> memref<128xi32, #tpu.memory_space<vmem>>
      %dma_wait3A_181 = arith.constant 0 : i32
      %dma_wait3A_182 = arith.constant 0 : i32
      %dma_wait3A_183 = tpu.memref_slice %arg3[%dma_wait3A_181, %dma_wait3A_182] : memref<100000x128xf32, #tpu.memory_space<hbm>> -> memref<100000x128xf32, #tpu.memory_space<hbm>>
      %dma_wait3A_184 = tpu.memref_slice %arg8[%scan3A_67] : memref<9x!tpu.dma_semaphore, #tpu.memory_space<semaphore_mem>> -> memref<1x!tpu.dma_semaphore, #tpu.memory_space<semaphore_mem>>
      %dma_wait3A_185 = tpu.memref_squeeze %dma_wait3A_184 : memref<1x!tpu.dma_semaphore, #tpu.memory_space<semaphore_mem>> -> memref<!tpu.dma_semaphore, #tpu.memory_space<semaphore_mem>>
      tpu.wait_indirect_dma semaphore(%dma_wait3A_185 : memref<!tpu.dma_semaphore, #tpu.memory_space<semaphore_mem>>) src(%dma_wait3A_183 : memref<100000x128xf32, #tpu.memory_space<hbm>>) dst(%dma_wait3A_177 : memref<128x128xf32, #tpu.memory_space<vmem>>)
      %mul3A_186 = arith.constant 2 : i32
      %mul3A_187 = arith.muli %arg1, %mul3A_186 : i32
      %add3A_188 = arith.constant 0 : i32
      %add3A_189 = arith.addi %mul3A_187, %add3A_188 : i32
      %mul3A_190 = arith.constant 128 : i32
      %mul3A_191 = arith.muli %add3A_189, %mul3A_190 : i32
      %multiple_of3A_192 = tpu.assume_multiple %mul3A_191, 128 : i32
      %gt3A = arith.constant 0 : i32
      %gt3A_193 = arith.cmpi sgt, %add3A_113, %gt3A : i32
      %convert_element_type3A_194 = arith.extui %gt3A_193 : i1 to i32
      %cond3A_195 = arith.constant 0 : i32
      %cond3A_196 = arith.cmpi ne, %convert_element_type3A_194, %cond3A_195 : i32
      scf.if %cond3A_196 {
        %dma_wait3A_366 = tpu.memref_slice %arg8[%scan3A_68] : memref<9x!tpu.dma_semaphore, #tpu.memory_space<semaphore_mem>> -> memref<1x!tpu.dma_semaphore, #tpu.memory_space<semaphore_mem>>
        %dma_wait3A_367 = tpu.memref_squeeze %dma_wait3A_366 : memref<1x!tpu.dma_semaphore, #tpu.memory_space<semaphore_mem>> -> memref<!tpu.dma_semaphore, #tpu.memory_space<semaphore_mem>>
        %dma_wait3A_368 = arith.constant 0 : i32
        %dma_wait3A_369 = tpu.memref_slice %arg4[%multiple_of3A_173, %dma_wait3A_368] : memref<819200x128xf32, #tpu.memory_space<hbm>> -> memref<128x128xf32, #tpu.memory_space<hbm>>
        %dma_wait3A_370 = arith.constant 0 : i32
        %dma_wait3A_371 = tpu.memref_slice %arg6[%multiple_of3A_192, %dma_wait3A_370] : memref<4096x128xf32, #tpu.memory_space<vmem_shared>> -> memref<128x128xf32, #tpu.memory_space<vmem_shared>>
        tpu.wait_dma2 semaphore(%dma_wait3A_367 : memref<!tpu.dma_semaphore, #tpu.memory_space<semaphore_mem>>) src(%dma_wait3A_371 : memref<128x128xf32, #tpu.memory_space<vmem_shared>>) dst(%dma_wait3A_369 : memref<128x128xf32, #tpu.memory_space<hbm>>)
      } else {
      }
      %dma_start3A_197 = arith.constant 0 : i32
      %dma_start3A_198 = arith.constant 0 : i32
      %dma_start3A_199 = tpu.memref_slice %arg7[%scan3A_66, %dma_start3A_197, %dma_start3A_198] : memref<4x128x128xf32, #tpu.memory_space<vmem>> -> memref<1x128x128xf32, #tpu.memory_space<vmem>>
      %dma_start3A_200 = tpu.memref_squeeze %dma_start3A_199 : memref<1x128x128xf32, #tpu.memory_space<vmem>> -> memref<128x128xf32, #tpu.memory_space<vmem>>
      %dma_start3A_201 = arith.constant 0 : i32
      %dma_start3A_202 = tpu.memref_slice %arg6[%multiple_of3A_192, %dma_start3A_201] : memref<4096x128xf32, #tpu.memory_space<vmem_shared>> -> memref<128x128xf32, #tpu.memory_space<vmem_shared>>
      %dma_start3A_203 = tpu.memref_slice %arg8[%scan3A_69] : memref<9x!tpu.dma_semaphore, #tpu.memory_space<semaphore_mem>> -> memref<1x!tpu.dma_semaphore, #tpu.memory_space<semaphore_mem>>
      %dma_start3A_204 = tpu.memref_squeeze %dma_start3A_203 : memref<1x!tpu.dma_semaphore, #tpu.memory_space<semaphore_mem>> -> memref<!tpu.dma_semaphore, #tpu.memory_space<semaphore_mem>>
      %dma_start3A_205 = arith.constant 0 : i32
      %dma_start3A_206 = tpu.memref_slice %arg6[%multiple_of3A_192, %dma_start3A_205] : memref<4096x128xf32, #tpu.memory_space<vmem_shared>> -> memref<128x128xf32, #tpu.memory_space<vmem_shared>>
      %dma_start3A_207 = arith.constant 0 : i32
      %dma_start3A_208 = arith.constant 0 : i32
      %dma_start3A_209 = tpu.memref_slice %arg7[%scan3A_66, %dma_start3A_207, %dma_start3A_208] : memref<4x128x128xf32, #tpu.memory_space<vmem>> -> memref<1x128x128xf32, #tpu.memory_space<vmem>>
      %dma_start3A_210 = tpu.memref_squeeze %dma_start3A_209 : memref<1x128x128xf32, #tpu.memory_space<vmem>> -> memref<128x128xf32, #tpu.memory_space<vmem>>
      tpu.enqueue_dma source(%dma_start3A_210 : memref<128x128xf32, #tpu.memory_space<vmem>>) target(%dma_start3A_206 : memref<128x128xf32, #tpu.memory_space<vmem_shared>>) target_semaphore(%dma_start3A_204 : memref<!tpu.dma_semaphore, #tpu.memory_space<semaphore_mem>>)
      %dma_wait3A_211 = arith.constant 0 : i32
      %dma_wait3A_212 = arith.constant 0 : i32
      %dma_wait3A_213 = tpu.memref_slice %arg7[%scan3A_66, %dma_wait3A_211, %dma_wait3A_212] : memref<4x128x128xf32, #tpu.memory_space<vmem>> -> memref<1x128x128xf32, #tpu.memory_space<vmem>>
      %dma_wait3A_214 = tpu.memref_squeeze %dma_wait3A_213 : memref<1x128x128xf32, #tpu.memory_space<vmem>> -> memref<128x128xf32, #tpu.memory_space<vmem>>
      %dma_wait3A_215 = arith.constant 0 : i32
      %dma_wait3A_216 = tpu.memref_slice %arg6[%multiple_of3A_192, %dma_wait3A_215] : memref<4096x128xf32, #tpu.memory_space<vmem_shared>> -> memref<128x128xf32, #tpu.memory_space<vmem_shared>>
      %dma_wait3A_217 = tpu.memref_slice %arg8[%scan3A_69] : memref<9x!tpu.dma_semaphore, #tpu.memory_space<semaphore_mem>> -> memref<1x!tpu.dma_semaphore, #tpu.memory_space<semaphore_mem>>
      %dma_wait3A_218 = tpu.memref_squeeze %dma_wait3A_217 : memref<1x!tpu.dma_semaphore, #tpu.memory_space<semaphore_mem>> -> memref<!tpu.dma_semaphore, #tpu.memory_space<semaphore_mem>>
      %dma_wait3A_219 = arith.constant 0 : i32
      %dma_wait3A_220 = tpu.memref_slice %arg6[%multiple_of3A_192, %dma_wait3A_219] : memref<4096x128xf32, #tpu.memory_space<vmem_shared>> -> memref<128x128xf32, #tpu.memory_space<vmem_shared>>
      %dma_wait3A_221 = arith.constant 0 : i32
      %dma_wait3A_222 = arith.constant 0 : i32
      %dma_wait3A_223 = tpu.memref_slice %arg7[%scan3A_66, %dma_wait3A_221, %dma_wait3A_222] : memref<4x128x128xf32, #tpu.memory_space<vmem>> -> memref<1x128x128xf32, #tpu.memory_space<vmem>>
      %dma_wait3A_224 = tpu.memref_squeeze %dma_wait3A_223 : memref<1x128x128xf32, #tpu.memory_space<vmem>> -> memref<128x128xf32, #tpu.memory_space<vmem>>
      tpu.wait_dma2 semaphore(%dma_wait3A_218 : memref<!tpu.dma_semaphore, #tpu.memory_space<semaphore_mem>>) src(%dma_wait3A_224 : memref<128x128xf32, #tpu.memory_space<vmem>>) dst(%dma_wait3A_220 : memref<128x128xf32, #tpu.memory_space<vmem_shared>>)
      %dma_start3A_225 = tpu.memref_slice %arg8[%scan3A_68] : memref<9x!tpu.dma_semaphore, #tpu.memory_space<semaphore_mem>> -> memref<1x!tpu.dma_semaphore, #tpu.memory_space<semaphore_mem>>
      %dma_start3A_226 = tpu.memref_squeeze %dma_start3A_225 : memref<1x!tpu.dma_semaphore, #tpu.memory_space<semaphore_mem>> -> memref<!tpu.dma_semaphore, #tpu.memory_space<semaphore_mem>>
      %dma_start3A_227 = arith.constant 0 : i32
      %dma_start3A_228 = tpu.memref_slice %arg4[%multiple_of3A_173, %dma_start3A_227] : memref<819200x128xf32, #tpu.memory_space<hbm>> -> memref<128x128xf32, #tpu.memory_space<hbm>>
      %dma_start3A_229 = arith.constant 0 : i32
      %dma_start3A_230 = tpu.memref_slice %arg6[%multiple_of3A_192, %dma_start3A_229] : memref<4096x128xf32, #tpu.memory_space<vmem_shared>> -> memref<128x128xf32, #tpu.memory_space<vmem_shared>>
      tpu.enqueue_dma source(%dma_start3A_230 : memref<128x128xf32, #tpu.memory_space<vmem_shared>>) target(%dma_start3A_228 : memref<128x128xf32, #tpu.memory_space<hbm>>) target_semaphore(%dma_start3A_226 : memref<!tpu.dma_semaphore, #tpu.memory_space<semaphore_mem>>)
      %add3A_231 = arith.constant 4 : i32
      %add3A_232 = arith.addi %add3A_169, %add3A_231 : i32
      %lt3A_233 = arith.constant 200 : i32
      %lt3A_234 = arith.cmpi slt, %add3A_232, %lt3A_233 : i32
      %convert_element_type3A_235 = arith.extui %lt3A_234 : i1 to i32
      %cond3A_236 = arith.constant 0 : i32
      %cond3A_237 = arith.cmpi ne, %convert_element_type3A_235, %cond3A_236 : i32
      scf.if %cond3A_237 {
        %dma_start3A_366 = arith.constant 0 : i32
        %dma_start3A_367 = arith.constant 0 : i32
        %dma_start3A_368 = tpu.memref_slice %arg7[%scan3A_66, %dma_start3A_366, %dma_start3A_367] : memref<4x128x128xf32, #tpu.memory_space<vmem>> -> memref<1x128x128xf32, #tpu.memory_space<vmem>>
        %dma_start3A_369 = tpu.memref_squeeze %dma_start3A_368 : memref<1x128x128xf32, #tpu.memory_space<vmem>> -> memref<128x128xf32, #tpu.memory_space<vmem>>
        %dma_start3A_370 = arith.constant 0 : i32
        %dma_start3A_371 = tpu.memref_slice %arg5[%add3A_232, %dma_start3A_370] : memref<200x128xi32, #tpu.memory_space<vmem>> -> memref<1x128xi32, #tpu.memory_space<vmem>>
        %dma_start3A_372 = tpu.memref_squeeze %dma_start3A_371 : memref<1x128xi32, #tpu.memory_space<vmem>> -> memref<128xi32, #tpu.memory_space<vmem>>
        %dma_start3A_373 = arith.constant 0 : i32
        %dma_start3A_374 = arith.constant 0 : i32
        %dma_start3A_375 = tpu.memref_slice %arg3[%dma_start3A_373, %dma_start3A_374] : memref<100000x128xf32, #tpu.memory_space<hbm>> -> memref<100000x128xf32, #tpu.memory_space<hbm>>
        %dma_start3A_376 = tpu.memref_slice %arg8[%scan3A_67] : memref<9x!tpu.dma_semaphore, #tpu.memory_space<semaphore_mem>> -> memref<1x!tpu.dma_semaphore, #tpu.memory_space<semaphore_mem>>
        %dma_start3A_377 = tpu.memref_squeeze %dma_start3A_376 : memref<1x!tpu.dma_semaphore, #tpu.memory_space<semaphore_mem>> -> memref<!tpu.dma_semaphore, #tpu.memory_space<semaphore_mem>>
        tpu.enqueue_indirect_dma source(%dma_start3A_375 : memref<100000x128xf32, #tpu.memory_space<hbm>>) target(%dma_start3A_369 : memref<128x128xf32, #tpu.memory_space<vmem>>) offsets(%dma_start3A_372 : memref<128xi32, #tpu.memory_space<vmem>>) semaphore(%dma_start3A_377 : memref<!tpu.dma_semaphore, #tpu.memory_space<semaphore_mem>>)
      } else {
      }
      %mul3A_238 = arith.constant 4 : i32
      %mul3A_239 = arith.muli %add3A_113, %mul3A_238 : i32
      %add3A_240 = arith.constant 2 : i32
      %add3A_241 = arith.addi %mul3A_239, %add3A_240 : i32
      %mul3A_242 = arith.constant 128 : i32
      %mul3A_243 = arith.muli %add3A_241, %mul3A_242 : i32
      %add3A_244 = arith.addi %mul3A_4, %mul3A_243 : i32
      %multiple_of3A_245 = tpu.assume_multiple %add3A_244, 128 : i32
      %dma_wait3A_246 = arith.constant 0 : i32
      %dma_wait3A_247 = arith.constant 0 : i32
      %dma_wait3A_248 = tpu.memref_slice %arg7[%scan3A_70, %dma_wait3A_246, %dma_wait3A_247] : memref<4x128x128xf32, #tpu.memory_space<vmem>> -> memref<1x128x128xf32, #tpu.memory_space<vmem>>
      %dma_wait3A_249 = tpu.memref_squeeze %dma_wait3A_248 : memref<1x128x128xf32, #tpu.memory_space<vmem>> -> memref<128x128xf32, #tpu.memory_space<vmem>>
      %dma_wait3A_250 = arith.constant 0 : i32
      %dma_wait3A_251 = tpu.memref_slice %arg5[%add3A_241, %dma_wait3A_250] : memref<200x128xi32, #tpu.memory_space<vmem>> -> memref<1x128xi32, #tpu.memory_space<vmem>>
      %dma_wait3A_252 = tpu.memref_squeeze %dma_wait3A_251 : memref<1x128xi32, #tpu.memory_space<vmem>> -> memref<128xi32, #tpu.memory_space<vmem>>
      %dma_wait3A_253 = arith.constant 0 : i32
      %dma_wait3A_254 = arith.constant 0 : i32
      %dma_wait3A_255 = tpu.memref_slice %arg3[%dma_wait3A_253, %dma_wait3A_254] : memref<100000x128xf32, #tpu.memory_space<hbm>> -> memref<100000x128xf32, #tpu.memory_space<hbm>>
      %dma_wait3A_256 = tpu.memref_slice %arg8[%scan3A_71] : memref<9x!tpu.dma_semaphore, #tpu.memory_space<semaphore_mem>> -> memref<1x!tpu.dma_semaphore, #tpu.memory_space<semaphore_mem>>
      %dma_wait3A_257 = tpu.memref_squeeze %dma_wait3A_256 : memref<1x!tpu.dma_semaphore, #tpu.memory_space<semaphore_mem>> -> memref<!tpu.dma_semaphore, #tpu.memory_space<semaphore_mem>>
      tpu.wait_indirect_dma semaphore(%dma_wait3A_257 : memref<!tpu.dma_semaphore, #tpu.memory_space<semaphore_mem>>) src(%dma_wait3A_255 : memref<100000x128xf32, #tpu.memory_space<hbm>>) dst(%dma_wait3A_249 : memref<128x128xf32, #tpu.memory_space<vmem>>)
      %dma_start3A_258 = arith.constant 0 : i32
      %dma_start3A_259 = arith.constant 0 : i32
      %dma_start3A_260 = tpu.memref_slice %arg7[%scan3A_70, %dma_start3A_258, %dma_start3A_259] : memref<4x128x128xf32, #tpu.memory_space<vmem>> -> memref<1x128x128xf32, #tpu.memory_space<vmem>>
      %dma_start3A_261 = tpu.memref_squeeze %dma_start3A_260 : memref<1x128x128xf32, #tpu.memory_space<vmem>> -> memref<128x128xf32, #tpu.memory_space<vmem>>
      %dma_start3A_262 = arith.constant 0 : i32
      %dma_start3A_263 = tpu.memref_slice %arg4[%multiple_of3A_245, %dma_start3A_262] : memref<819200x128xf32, #tpu.memory_space<hbm>> -> memref<128x128xf32, #tpu.memory_space<hbm>>
      %dma_start3A_264 = tpu.memref_slice %arg8[%scan3A_65] : memref<9x!tpu.dma_semaphore, #tpu.memory_space<semaphore_mem>> -> memref<1x!tpu.dma_semaphore, #tpu.memory_space<semaphore_mem>>
      %dma_start3A_265 = tpu.memref_squeeze %dma_start3A_264 : memref<1x!tpu.dma_semaphore, #tpu.memory_space<semaphore_mem>> -> memref<!tpu.dma_semaphore, #tpu.memory_space<semaphore_mem>>
      %dma_start3A_266 = arith.constant 0 : i32
      %dma_start3A_267 = tpu.memref_slice %arg4[%multiple_of3A_245, %dma_start3A_266] : memref<819200x128xf32, #tpu.memory_space<hbm>> -> memref<128x128xf32, #tpu.memory_space<hbm>>
      %dma_start3A_268 = arith.constant 0 : i32
      %dma_start3A_269 = arith.constant 0 : i32
      %dma_start3A_270 = tpu.memref_slice %arg7[%scan3A_70, %dma_start3A_268, %dma_start3A_269] : memref<4x128x128xf32, #tpu.memory_space<vmem>> -> memref<1x128x128xf32, #tpu.memory_space<vmem>>
      %dma_start3A_271 = tpu.memref_squeeze %dma_start3A_270 : memref<1x128x128xf32, #tpu.memory_space<vmem>> -> memref<128x128xf32, #tpu.memory_space<vmem>>
      tpu.enqueue_dma source(%dma_start3A_271 : memref<128x128xf32, #tpu.memory_space<vmem>>) target(%dma_start3A_267 : memref<128x128xf32, #tpu.memory_space<hbm>>) target_semaphore(%dma_start3A_265 : memref<!tpu.dma_semaphore, #tpu.memory_space<semaphore_mem>>)
      %dma_wait3A_272 = arith.constant 0 : i32
      %dma_wait3A_273 = arith.constant 0 : i32
      %dma_wait3A_274 = tpu.memref_slice %arg7[%scan3A_70, %dma_wait3A_272, %dma_wait3A_273] : memref<4x128x128xf32, #tpu.memory_space<vmem>> -> memref<1x128x128xf32, #tpu.memory_space<vmem>>
      %dma_wait3A_275 = tpu.memref_squeeze %dma_wait3A_274 : memref<1x128x128xf32, #tpu.memory_space<vmem>> -> memref<128x128xf32, #tpu.memory_space<vmem>>
      %dma_wait3A_276 = arith.constant 0 : i32
      %dma_wait3A_277 = tpu.memref_slice %arg4[%multiple_of3A_245, %dma_wait3A_276] : memref<819200x128xf32, #tpu.memory_space<hbm>> -> memref<128x128xf32, #tpu.memory_space<hbm>>
      %dma_wait3A_278 = tpu.memref_slice %arg8[%scan3A_65] : memref<9x!tpu.dma_semaphore, #tpu.memory_space<semaphore_mem>> -> memref<1x!tpu.dma_semaphore, #tpu.memory_space<semaphore_mem>>
      %dma_wait3A_279 = tpu.memref_squeeze %dma_wait3A_278 : memref<1x!tpu.dma_semaphore, #tpu.memory_space<semaphore_mem>> -> memref<!tpu.dma_semaphore, #tpu.memory_space<semaphore_mem>>
      %dma_wait3A_280 = arith.constant 0 : i32
      %dma_wait3A_281 = tpu.memref_slice %arg4[%multiple_of3A_245, %dma_wait3A_280] : memref<819200x128xf32, #tpu.memory_space<hbm>> -> memref<128x128xf32, #tpu.memory_space<hbm>>
      %dma_wait3A_282 = arith.constant 0 : i32
      %dma_wait3A_283 = arith.constant 0 : i32
      %dma_wait3A_284 = tpu.memref_slice %arg7[%scan3A_70, %dma_wait3A_282, %dma_wait3A_283] : memref<4x128x128xf32, #tpu.memory_space<vmem>> -> memref<1x128x128xf32, #tpu.memory_space<vmem>>
      %dma_wait3A_285 = tpu.memref_squeeze %dma_wait3A_284 : memref<1x128x128xf32, #tpu.memory_space<vmem>> -> memref<128x128xf32, #tpu.memory_space<vmem>>
      tpu.wait_dma2 semaphore(%dma_wait3A_279 : memref<!tpu.dma_semaphore, #tpu.memory_space<semaphore_mem>>) src(%dma_wait3A_285 : memref<128x128xf32, #tpu.memory_space<vmem>>) dst(%dma_wait3A_281 : memref<128x128xf32, #tpu.memory_space<hbm>>)
      %add3A_286 = arith.constant 4 : i32
      %add3A_287 = arith.addi %add3A_241, %add3A_286 : i32
      %lt3A_288 = arith.constant 200 : i32
      %lt3A_289 = arith.cmpi slt, %add3A_287, %lt3A_288 : i32
      %convert_element_type3A_290 = arith.extui %lt3A_289 : i1 to i32
      %cond3A_291 = arith.constant 0 : i32
      %cond3A_292 = arith.cmpi ne, %convert_element_type3A_290, %cond3A_291 : i32
      scf.if %cond3A_292 {
        %dma_start3A_366 = arith.constant 0 : i32
        %dma_start3A_367 = arith.constant 0 : i32
        %dma_start3A_368 = tpu.memref_slice %arg7[%scan3A_70, %dma_start3A_366, %dma_start3A_367] : memref<4x128x128xf32, #tpu.memory_space<vmem>> -> memref<1x128x128xf32, #tpu.memory_space<vmem>>
        %dma_start3A_369 = tpu.memref_squeeze %dma_start3A_368 : memref<1x128x128xf32, #tpu.memory_space<vmem>> -> memref<128x128xf32, #tpu.memory_space<vmem>>
        %dma_start3A_370 = arith.constant 0 : i32
        %dma_start3A_371 = tpu.memref_slice %arg5[%add3A_287, %dma_start3A_370] : memref<200x128xi32, #tpu.memory_space<vmem>> -> memref<1x128xi32, #tpu.memory_space<vmem>>
        %dma_start3A_372 = tpu.memref_squeeze %dma_start3A_371 : memref<1x128xi32, #tpu.memory_space<vmem>> -> memref<128xi32, #tpu.memory_space<vmem>>
        %dma_start3A_373 = arith.constant 0 : i32
        %dma_start3A_374 = arith.constant 0 : i32
        %dma_start3A_375 = tpu.memref_slice %arg3[%dma_start3A_373, %dma_start3A_374] : memref<100000x128xf32, #tpu.memory_space<hbm>> -> memref<100000x128xf32, #tpu.memory_space<hbm>>
        %dma_start3A_376 = tpu.memref_slice %arg8[%scan3A_71] : memref<9x!tpu.dma_semaphore, #tpu.memory_space<semaphore_mem>> -> memref<1x!tpu.dma_semaphore, #tpu.memory_space<semaphore_mem>>
        %dma_start3A_377 = tpu.memref_squeeze %dma_start3A_376 : memref<1x!tpu.dma_semaphore, #tpu.memory_space<semaphore_mem>> -> memref<!tpu.dma_semaphore, #tpu.memory_space<semaphore_mem>>
        tpu.enqueue_indirect_dma source(%dma_start3A_375 : memref<100000x128xf32, #tpu.memory_space<hbm>>) target(%dma_start3A_369 : memref<128x128xf32, #tpu.memory_space<vmem>>) offsets(%dma_start3A_372 : memref<128xi32, #tpu.memory_space<vmem>>) semaphore(%dma_start3A_377 : memref<!tpu.dma_semaphore, #tpu.memory_space<semaphore_mem>>)
      } else {
      }
      %mul3A_293 = arith.constant 4 : i32
      %mul3A_294 = arith.muli %add3A_113, %mul3A_293 : i32
      %add3A_295 = arith.constant 3 : i32
      %add3A_296 = arith.addi %mul3A_294, %add3A_295 : i32
      %mul3A_297 = arith.constant 128 : i32
      %mul3A_298 = arith.muli %add3A_296, %mul3A_297 : i32
      %add3A_299 = arith.addi %mul3A_4, %mul3A_298 : i32
      %multiple_of3A_300 = tpu.assume_multiple %add3A_299, 128 : i32
      %dma_wait3A_301 = arith.constant 0 : i32
      %dma_wait3A_302 = arith.constant 0 : i32
      %dma_wait3A_303 = tpu.memref_slice %arg7[%scan3A_72, %dma_wait3A_301, %dma_wait3A_302] : memref<4x128x128xf32, #tpu.memory_space<vmem>> -> memref<1x128x128xf32, #tpu.memory_space<vmem>>
      %dma_wait3A_304 = tpu.memref_squeeze %dma_wait3A_303 : memref<1x128x128xf32, #tpu.memory_space<vmem>> -> memref<128x128xf32, #tpu.memory_space<vmem>>
      %dma_wait3A_305 = arith.constant 0 : i32
      %dma_wait3A_306 = tpu.memref_slice %arg5[%add3A_296, %dma_wait3A_305] : memref<200x128xi32, #tpu.memory_space<vmem>> -> memref<1x128xi32, #tpu.memory_space<vmem>>
      %dma_wait3A_307 = tpu.memref_squeeze %dma_wait3A_306 : memref<1x128xi32, #tpu.memory_space<vmem>> -> memref<128xi32, #tpu.memory_space<vmem>>
      %dma_wait3A_308 = arith.constant 0 : i32
      %dma_wait3A_309 = arith.constant 0 : i32
      %dma_wait3A_310 = tpu.memref_slice %arg3[%dma_wait3A_308, %dma_wait3A_309] : memref<100000x128xf32, #tpu.memory_space<hbm>> -> memref<100000x128xf32, #tpu.memory_space<hbm>>
      %dma_wait3A_311 = tpu.memref_slice %arg8[%scan3A_73] : memref<9x!tpu.dma_semaphore, #tpu.memory_space<semaphore_mem>> -> memref<1x!tpu.dma_semaphore, #tpu.memory_space<semaphore_mem>>
      %dma_wait3A_312 = tpu.memref_squeeze %dma_wait3A_311 : memref<1x!tpu.dma_semaphore, #tpu.memory_space<semaphore_mem>> -> memref<!tpu.dma_semaphore, #tpu.memory_space<semaphore_mem>>
      tpu.wait_indirect_dma semaphore(%dma_wait3A_312 : memref<!tpu.dma_semaphore, #tpu.memory_space<semaphore_mem>>) src(%dma_wait3A_310 : memref<100000x128xf32, #tpu.memory_space<hbm>>) dst(%dma_wait3A_304 : memref<128x128xf32, #tpu.memory_space<vmem>>)
      %mul3A_313 = arith.constant 2 : i32
      %mul3A_314 = arith.muli %arg1, %mul3A_313 : i32
      %add3A_315 = arith.constant 1 : i32
      %add3A_316 = arith.addi %mul3A_314, %add3A_315 : i32
      %mul3A_317 = arith.constant 128 : i32
      %mul3A_318 = arith.muli %add3A_316, %mul3A_317 : i32
      %multiple_of3A_319 = tpu.assume_multiple %mul3A_318, 128 : i32
      %gt3A_320 = arith.constant 0 : i32
      %gt3A_321 = arith.cmpi sgt, %add3A_113, %gt3A_320 : i32
      %convert_element_type3A_322 = arith.extui %gt3A_321 : i1 to i32
      %cond3A_323 = arith.constant 0 : i32
      %cond3A_324 = arith.cmpi ne, %convert_element_type3A_322, %cond3A_323 : i32
      scf.if %cond3A_324 {
        %dma_wait3A_366 = tpu.memref_slice %arg8[%scan3A_74] : memref<9x!tpu.dma_semaphore, #tpu.memory_space<semaphore_mem>> -> memref<1x!tpu.dma_semaphore, #tpu.memory_space<semaphore_mem>>
        %dma_wait3A_367 = tpu.memref_squeeze %dma_wait3A_366 : memref<1x!tpu.dma_semaphore, #tpu.memory_space<semaphore_mem>> -> memref<!tpu.dma_semaphore, #tpu.memory_space<semaphore_mem>>
        %dma_wait3A_368 = arith.constant 0 : i32
        %dma_wait3A_369 = tpu.memref_slice %arg4[%multiple_of3A_300, %dma_wait3A_368] : memref<819200x128xf32, #tpu.memory_space<hbm>> -> memref<128x128xf32, #tpu.memory_space<hbm>>
        %dma_wait3A_370 = arith.constant 0 : i32
        %dma_wait3A_371 = tpu.memref_slice %arg6[%multiple_of3A_319, %dma_wait3A_370] : memref<4096x128xf32, #tpu.memory_space<vmem_shared>> -> memref<128x128xf32, #tpu.memory_space<vmem_shared>>
        tpu.wait_dma2 semaphore(%dma_wait3A_367 : memref<!tpu.dma_semaphore, #tpu.memory_space<semaphore_mem>>) src(%dma_wait3A_371 : memref<128x128xf32, #tpu.memory_space<vmem_shared>>) dst(%dma_wait3A_369 : memref<128x128xf32, #tpu.memory_space<hbm>>)
      } else {
      }
      %dma_start3A_325 = arith.constant 0 : i32
      %dma_start3A_326 = arith.constant 0 : i32
      %dma_start3A_327 = tpu.memref_slice %arg7[%scan3A_72, %dma_start3A_325, %dma_start3A_326] : memref<4x128x128xf32, #tpu.memory_space<vmem>> -> memref<1x128x128xf32, #tpu.memory_space<vmem>>
      %dma_start3A_328 = tpu.memref_squeeze %dma_start3A_327 : memref<1x128x128xf32, #tpu.memory_space<vmem>> -> memref<128x128xf32, #tpu.memory_space<vmem>>
      %dma_start3A_329 = arith.constant 0 : i32
      %dma_start3A_330 = tpu.memref_slice %arg6[%multiple_of3A_319, %dma_start3A_329] : memref<4096x128xf32, #tpu.memory_space<vmem_shared>> -> memref<128x128xf32, #tpu.memory_space<vmem_shared>>
      %dma_start3A_331 = tpu.memref_slice %arg8[%scan3A_75] : memref<9x!tpu.dma_semaphore, #tpu.memory_space<semaphore_mem>> -> memref<1x!tpu.dma_semaphore, #tpu.memory_space<semaphore_mem>>
      %dma_start3A_332 = tpu.memref_squeeze %dma_start3A_331 : memref<1x!tpu.dma_semaphore, #tpu.memory_space<semaphore_mem>> -> memref<!tpu.dma_semaphore, #tpu.memory_space<semaphore_mem>>
      %dma_start3A_333 = arith.constant 0 : i32
      %dma_start3A_334 = tpu.memref_slice %arg6[%multiple_of3A_319, %dma_start3A_333] : memref<4096x128xf32, #tpu.memory_space<vmem_shared>> -> memref<128x128xf32, #tpu.memory_space<vmem_shared>>
      %dma_start3A_335 = arith.constant 0 : i32
      %dma_start3A_336 = arith.constant 0 : i32
      %dma_start3A_337 = tpu.memref_slice %arg7[%scan3A_72, %dma_start3A_335, %dma_start3A_336] : memref<4x128x128xf32, #tpu.memory_space<vmem>> -> memref<1x128x128xf32, #tpu.memory_space<vmem>>
      %dma_start3A_338 = tpu.memref_squeeze %dma_start3A_337 : memref<1x128x128xf32, #tpu.memory_space<vmem>> -> memref<128x128xf32, #tpu.memory_space<vmem>>
      tpu.enqueue_dma source(%dma_start3A_338 : memref<128x128xf32, #tpu.memory_space<vmem>>) target(%dma_start3A_334 : memref<128x128xf32, #tpu.memory_space<vmem_shared>>) target_semaphore(%dma_start3A_332 : memref<!tpu.dma_semaphore, #tpu.memory_space<semaphore_mem>>)
      %dma_wait3A_339 = arith.constant 0 : i32
      %dma_wait3A_340 = arith.constant 0 : i32
      %dma_wait3A_341 = tpu.memref_slice %arg7[%scan3A_72, %dma_wait3A_339, %dma_wait3A_340] : memref<4x128x128xf32, #tpu.memory_space<vmem>> -> memref<1x128x128xf32, #tpu.memory_space<vmem>>
      %dma_wait3A_342 = tpu.memref_squeeze %dma_wait3A_341 : memref<1x128x128xf32, #tpu.memory_space<vmem>> -> memref<128x128xf32, #tpu.memory_space<vmem>>
      %dma_wait3A_343 = arith.constant 0 : i32
      %dma_wait3A_344 = tpu.memref_slice %arg6[%multiple_of3A_319, %dma_wait3A_343] : memref<4096x128xf32, #tpu.memory_space<vmem_shared>> -> memref<128x128xf32, #tpu.memory_space<vmem_shared>>
      %dma_wait3A_345 = tpu.memref_slice %arg8[%scan3A_75] : memref<9x!tpu.dma_semaphore, #tpu.memory_space<semaphore_mem>> -> memref<1x!tpu.dma_semaphore, #tpu.memory_space<semaphore_mem>>
      %dma_wait3A_346 = tpu.memref_squeeze %dma_wait3A_345 : memref<1x!tpu.dma_semaphore, #tpu.memory_space<semaphore_mem>> -> memref<!tpu.dma_semaphore, #tpu.memory_space<semaphore_mem>>
      %dma_wait3A_347 = arith.constant 0 : i32
      %dma_wait3A_348 = tpu.memref_slice %arg6[%multiple_of3A_319, %dma_wait3A_347] : memref<4096x128xf32, #tpu.memory_space<vmem_shared>> -> memref<128x128xf32, #tpu.memory_space<vmem_shared>>
      %dma_wait3A_349 = arith.constant 0 : i32
      %dma_wait3A_350 = arith.constant 0 : i32
      %dma_wait3A_351 = tpu.memref_slice %arg7[%scan3A_72, %dma_wait3A_349, %dma_wait3A_350] : memref<4x128x128xf32, #tpu.memory_space<vmem>> -> memref<1x128x128xf32, #tpu.memory_space<vmem>>
      %dma_wait3A_352 = tpu.memref_squeeze %dma_wait3A_351 : memref<1x128x128xf32, #tpu.memory_space<vmem>> -> memref<128x128xf32, #tpu.memory_space<vmem>>
      tpu.wait_dma2 semaphore(%dma_wait3A_346 : memref<!tpu.dma_semaphore, #tpu.memory_space<semaphore_mem>>) src(%dma_wait3A_352 : memref<128x128xf32, #tpu.memory_space<vmem>>) dst(%dma_wait3A_348 : memref<128x128xf32, #tpu.memory_space<vmem_shared>>)
      %dma_start3A_353 = tpu.memref_slice %arg8[%scan3A_74] : memref<9x!tpu.dma_semaphore, #tpu.memory_space<semaphore_mem>> -> memref<1x!tpu.dma_semaphore, #tpu.memory_space<semaphore_mem>>
      %dma_start3A_354 = tpu.memref_squeeze %dma_start3A_353 : memref<1x!tpu.dma_semaphore, #tpu.memory_space<semaphore_mem>> -> memref<!tpu.dma_semaphore, #tpu.memory_space<semaphore_mem>>
      %dma_start3A_355 = arith.constant 0 : i32
      %dma_start3A_356 = tpu.memref_slice %arg4[%multiple_of3A_300, %dma_start3A_355] : memref<819200x128xf32, #tpu.memory_space<hbm>> -> memref<128x128xf32, #tpu.memory_space<hbm>>
      %dma_start3A_357 = arith.constant 0 : i32
      %dma_start3A_358 = tpu.memref_slice %arg6[%multiple_of3A_319, %dma_start3A_357] : memref<4096x128xf32, #tpu.memory_space<vmem_shared>> -> memref<128x128xf32, #tpu.memory_space<vmem_shared>>
      tpu.enqueue_dma source(%dma_start3A_358 : memref<128x128xf32, #tpu.memory_space<vmem_shared>>) target(%dma_start3A_356 : memref<128x128xf32, #tpu.memory_space<hbm>>) target_semaphore(%dma_start3A_354 : memref<!tpu.dma_semaphore, #tpu.memory_space<semaphore_mem>>)
      %add3A_359 = arith.constant 4 : i32
      %add3A_360 = arith.addi %add3A_296, %add3A_359 : i32
      %lt3A_361 = arith.constant 200 : i32
      %lt3A_362 = arith.cmpi slt, %add3A_360, %lt3A_361 : i32
      %convert_element_type3A_363 = arith.extui %lt3A_362 : i1 to i32
      %cond3A_364 = arith.constant 0 : i32
      %cond3A_365 = arith.cmpi ne, %convert_element_type3A_363, %cond3A_364 : i32
      scf.if %cond3A_365 {
        %dma_start3A_366 = arith.constant 0 : i32
        %dma_start3A_367 = arith.constant 0 : i32
        %dma_start3A_368 = tpu.memref_slice %arg7[%scan3A_72, %dma_start3A_366, %dma_start3A_367] : memref<4x128x128xf32, #tpu.memory_space<vmem>> -> memref<1x128x128xf32, #tpu.memory_space<vmem>>
        %dma_start3A_369 = tpu.memref_squeeze %dma_start3A_368 : memref<1x128x128xf32, #tpu.memory_space<vmem>> -> memref<128x128xf32, #tpu.memory_space<vmem>>
        %dma_start3A_370 = arith.constant 0 : i32
        %dma_start3A_371 = tpu.memref_slice %arg5[%add3A_360, %dma_start3A_370] : memref<200x128xi32, #tpu.memory_space<vmem>> -> memref<1x128xi32, #tpu.memory_space<vmem>>
        %dma_start3A_372 = tpu.memref_squeeze %dma_start3A_371 : memref<1x128xi32, #tpu.memory_space<vmem>> -> memref<128xi32, #tpu.memory_space<vmem>>
        %dma_start3A_373 = arith.constant 0 : i32
        %dma_start3A_374 = arith.constant 0 : i32
        %dma_start3A_375 = tpu.memref_slice %arg3[%dma_start3A_373, %dma_start3A_374] : memref<100000x128xf32, #tpu.memory_space<hbm>> -> memref<100000x128xf32, #tpu.memory_space<hbm>>
        %dma_start3A_376 = tpu.memref_slice %arg8[%scan3A_73] : memref<9x!tpu.dma_semaphore, #tpu.memory_space<semaphore_mem>> -> memref<1x!tpu.dma_semaphore, #tpu.memory_space<semaphore_mem>>
        %dma_start3A_377 = tpu.memref_squeeze %dma_start3A_376 : memref<1x!tpu.dma_semaphore, #tpu.memory_space<semaphore_mem>> -> memref<!tpu.dma_semaphore, #tpu.memory_space<semaphore_mem>>
        tpu.enqueue_indirect_dma source(%dma_start3A_375 : memref<100000x128xf32, #tpu.memory_space<hbm>>) target(%dma_start3A_369 : memref<128x128xf32, #tpu.memory_space<vmem>>) offsets(%dma_start3A_372 : memref<128xi32, #tpu.memory_space<vmem>>) semaphore(%dma_start3A_377 : memref<!tpu.dma_semaphore, #tpu.memory_space<semaphore_mem>>)
      } else {
      }
    }
    %scan3A_80 = arith.constant 50 : i32
    %mul3A_81 = arith.constant 2 : i32
    %mul3A_82 = arith.muli %arg1, %mul3A_81 : i32
    %add3A_83 = arith.constant 0 : i32
    %add3A_84 = arith.addi %mul3A_82, %add3A_83 : i32
    %mul3A_85 = arith.constant 128 : i32
    %mul3A_86 = arith.muli %add3A_84, %mul3A_85 : i32
    %multiple_of3A = tpu.assume_multiple %mul3A_86, 128 : i32
    %multiple_of3A_87 = tpu.assume_multiple %mul3A_4, 128 : i32
    %dma_wait3A = arith.constant 6 : i32
    %dma_wait3A_88 = tpu.memref_slice %arg8[%dma_wait3A] : memref<9x!tpu.dma_semaphore, #tpu.memory_space<semaphore_mem>> -> memref<1x!tpu.dma_semaphore, #tpu.memory_space<semaphore_mem>>
    %dma_wait3A_89 = tpu.memref_squeeze %dma_wait3A_88 : memref<1x!tpu.dma_semaphore, #tpu.memory_space<semaphore_mem>> -> memref<!tpu.dma_semaphore, #tpu.memory_space<semaphore_mem>>
    %dma_wait3A_90 = arith.constant 0 : i32
    %dma_wait3A_91 = tpu.memref_slice %arg4[%multiple_of3A_87, %dma_wait3A_90] : memref<819200x128xf32, #tpu.memory_space<hbm>> -> memref<128x128xf32, #tpu.memory_space<hbm>>
    %dma_wait3A_92 = arith.constant 0 : i32
    %dma_wait3A_93 = tpu.memref_slice %arg6[%multiple_of3A, %dma_wait3A_92] : memref<4096x128xf32, #tpu.memory_space<vmem_shared>> -> memref<128x128xf32, #tpu.memory_space<vmem_shared>>
    tpu.wait_dma2 semaphore(%dma_wait3A_89 : memref<!tpu.dma_semaphore, #tpu.memory_space<semaphore_mem>>) src(%dma_wait3A_93 : memref<128x128xf32, #tpu.memory_space<vmem_shared>>) dst(%dma_wait3A_91 : memref<128x128xf32, #tpu.memory_space<hbm>>)
    %mul3A_94 = arith.constant 2 : i32
    %mul3A_95 = arith.muli %arg1, %mul3A_94 : i32
    %add3A_96 = arith.constant 1 : i32
    %add3A_97 = arith.addi %mul3A_95, %add3A_96 : i32
    %mul3A_98 = arith.constant 128 : i32
    %mul3A_99 = arith.muli %add3A_97, %mul3A_98 : i32
    %multiple_of3A_100 = tpu.assume_multiple %mul3A_99, 128 : i32
    %multiple_of3A_101 = tpu.assume_multiple %mul3A_4, 128 : i32
    %dma_wait3A_102 = arith.constant 7 : i32
    %dma_wait3A_103 = tpu.memref_slice %arg8[%dma_wait3A_102] : memref<9x!tpu.dma_semaphore, #tpu.memory_space<semaphore_mem>> -> memref<1x!tpu.dma_semaphore, #tpu.memory_space<semaphore_mem>>
    %dma_wait3A_104 = tpu.memref_squeeze %dma_wait3A_103 : memref<1x!tpu.dma_semaphore, #tpu.memory_space<semaphore_mem>> -> memref<!tpu.dma_semaphore, #tpu.memory_space<semaphore_mem>>
    %dma_wait3A_105 = arith.constant 0 : i32
    %dma_wait3A_106 = tpu.memref_slice %arg4[%multiple_of3A_101, %dma_wait3A_105] : memref<819200x128xf32, #tpu.memory_space<hbm>> -> memref<128x128xf32, #tpu.memory_space<hbm>>
    %dma_wait3A_107 = arith.constant 0 : i32
    %dma_wait3A_108 = tpu.memref_slice %arg6[%multiple_of3A_100, %dma_wait3A_107] : memref<4096x128xf32, #tpu.memory_space<vmem_shared>> -> memref<128x128xf32, #tpu.memory_space<vmem_shared>>
    tpu.wait_dma2 semaphore(%dma_wait3A_104 : memref<!tpu.dma_semaphore, #tpu.memory_space<semaphore_mem>>) src(%dma_wait3A_108 : memref<128x128xf32, #tpu.memory_space<vmem_shared>>) dst(%dma_wait3A_106 : memref<128x128xf32, #tpu.memory_space<hbm>>)
    return
  }
}

</mosaic_0001>

<sc_bundles>
// kernel: _embed.3.cloned.1.call-start
scs
__scs_entry_jumppad:
0x0: {  	(pc) =	sbr.rel $0x88, $3  }
0x1: {  	(tag) =	ssettag $0x0;
	lr =	simm.s32 $0x1  }
0x2: {  	[smem:$0x3F9F] =	sst lr;
	_ =	strace $0xD0000000  }
0x3: {  	_ = 	snop  }
0x4: {  	_ = 	snop  }
0x5: {  	_ = 	snop  }
0x6: {  	_ = 	snop  }
0x7: {  	_ = 	snop  }
__scs_overlays_trampoline_lowered:
0x8: {  	[smem:$0x3FAE] =	sst s0  }
0x9: {  	[smem:$0x3FAF] =	sst s1  }
0xa: {  	[smem:$0x3FB0] =	sst s2  }
0xb: {  	[smem:$0x3FB1] =	sst s3  }
0xc: {  	[smem:$0x3FB2] =	sst s4  }
0xd: {  	[smem:$0x3FB3] =	sst s5  }
0xe: {  	[smem:$0x3FB4] =	sst s6  }
0xf: {  	[smem:$0x3FB5] =	sst s7  }
0x10: {  	[smem:$0x3FB6] =	sst s8  }
0x11: {  	[smem:$0x3FB7] =	sst s9;
	s0 =	simm.s32 @!p0 $0x0  }
0x12: {  	s1 =	sld [smem:$0x3F9D];
	s0 =	simm.s32 @p0 $0x1  }
0x13: {  	[smem:$0x3FB8] =	sst s0;
	s0 =	simm.s32 @!p1 $0x0  }
0x14: {  	s2 =	sld [smem:$0x3F9C];
	s0 =	simm.s32 @p1 $0x1  }
0x15: {  	[smem:$0x3FB9] =	sst s0;
	s0 =	simm.s32 @!p2 $0x0  }
0x16: {  	s3 =	sld [smem:$0x3FDB];
	s0 =	simm.s32 @p2 $0x1  }
0x17: {  	s4 =	simm.s32 $0x1BF5;
	[smem:$0x3FBB] =	sst s0  }
0x18: {  	s0 =	sld [smem:$0x3F9E];
	_ =	swait.ge [sflag:s4], $0x0  }
0x19: {  	s7 =	sld [smem:$0x3F9F]  }
0x1a: {  	s8 =	sadd.s32 $0xFFFFE003, lr  }
0x1b: {  	s9 =	sadd.s32 $0xFFFFFEF7, lr;
	s5 =	simm.s32 $0xFFFFFFFF;
	p2 =	slt.u32 s8, $0xFFFFF086  }
0x1c: {  	p1 =	slt.u32 s9, $0xF7A;
	s5 =	simm.s32 @!p2 $0x0  }
0x1d: {  	s5 =	simm.s32 @p1 $0x1;
	p0 =	seq.s32 s7, s2  }
0x1e: {  	s7 =	smul.u32 @!p0 $0xF7A, s2;
	p2 =	seq.s32 @!p0 s5, $0x0  }
0x1f: {  	s9 =	smul.u32 $0xF7A, s1;
	s8 =	simm.s32 @!p0 $0x1BF5;
	p2 =	por !p2, p0  }
0x20: {  	[sflag:s8] =	ssyncset.s32 @!p0 $0xFFFFF086;
	s6 =	sadd.s32 @!p0 s3, s7;
	s7 =	simm.s32 @!p0 $0x108  }
0x21: {  	s3 =	sadd.s32 s3, s9;
	s6 =	sadd.s32 @!p0 $0x88, s6;
	s7 =	simm.s32 @p2 $0x1082  }
0x22: {  	[simem:s7], [sflag:s8] =	dma.local @!p0 [hbm:s6], $0xF7A  }
0x23: {  	s9 =	sor.u32 $0xD0000000, s2;
	s6 =	simm.s32 $0x108;
	_ =	swait.ge @!p0 [sflag:s8], $0x0  }
0x24: {  	s3 =	sadd.s32 $0x88, s3;
	s6 =	simm.s32 @!p1 $0x1082;
	[sflag:s4] =	ssyncset.s32 $0xFFFFF086  }
0x25: {  	[simem:s6], [sflag:s4] =	dma.local [hbm:s3], $0xF7A  }
0x26: {  	[smem:$0x3F9F] =	sst s1;
	(tag) =	ssettag s2;
	_ =	strace s9  }
0x27: {  	s1 =	sld [smem:$0x3FAF]  }
0x28: {  	s2 =	sld [smem:$0x3FB0]  }
0x29: {  	s4 =	sld [smem:$0x3FB2]  }
0x2a: {  	p0 =	seq.s32 s5, $0x0;
	s5 =	sld [smem:$0x3FB3]  }
0x2b: {  	s6 =	sld [smem:$0x3FB4]  }
0x2c: {  	s7 =	sld [smem:$0x3FB5]  }
0x2d: {  	s3 =	simm.s32 $0x108;
	s8 =	sld [smem:$0x3FB6]  }
0x2e: {  	s3 =	simm.s32 @!p0 $0x1082;
	s9 =	sld [smem:$0x3FB7]  }
0x2f: {  	lr =	sadd.s32 s0, s3;
	s0 =	sld [smem:$0x3FAE]  }
0x30: {  	s3 =	sld [smem:$0x3FB1]  }
0x31: {  	[smem:$0x3FBA] =	sst s10  }
0x32: {  	s10 =	sld [smem:$0x3FB8];
	_ =	sdelay $0x3  }
0x33: {  	p0 =	seq.s32 s10, $0x1;
	s10 =	sld [smem:$0x3FBA];
	_ =	sdelay $0x3  }
0x34: {  	[smem:$0x3FBA] =	sst s10  }
0x35: {  	s10 =	sld [smem:$0x3FB9];
	_ =	sdelay $0x3  }
0x36: {  	p1 =	seq.s32 s10, $0x1;
	s10 =	sld [smem:$0x3FBA];
	_ =	sdelay $0x3  }
0x37: {  	[smem:$0x3FBA] =	sst s10  }
0x38: {  	s10 =	sld [smem:$0x3FBB]  }
0x39: {  	_ = 	snop;
	(pc) =	sbr.ind lr, $3  }
0x3a: {  	_ = 	snop  }
0x3b: {  	_ = 	snop  }
0x3c: {  	p2 =	seq.s32 s10, $0x1;
	s10 =	sld [smem:$0x3FBA]  }
0x3d: {  	_ =	shalt  }
0x3e: {  	_ =	shalt  }
0x3f: {  	_ =	shalt  }
0x40: {  	_ =	shalt  }
0x41: {  	_ =	shalt  }
0x42: {  	_ =	shalt  }
0x43: {  	_ =	shalt  }
0x44: {  	_ =	shalt  }
0x45: {  	_ =	shalt  }
0x46: {  	_ =	shalt  }
0x47: {  	_ =	shalt  }
0x48: {  	_ =	shalt  }
0x49: {  	_ =	shalt  }
0x4a: {  	_ =	shalt  }
0x4b: {  	_ =	shalt  }
0x4c: {  	_ =	shalt  }
0x4d: {  	_ =	shalt  }
0x4e: {  	_ =	shalt  }
0x4f: {  	_ =	shalt  }
0x50: {  	_ =	shalt  }
0x51: {  	_ =	shalt  }
0x52: {  	_ =	shalt  }
0x53: {  	_ =	shalt  }
0x54: {  	_ =	shalt  }
0x55: {  	_ =	shalt  }
0x56: {  	_ =	shalt  }
0x57: {  	_ =	shalt  }
0x58: {  	_ =	shalt  }
0x59: {  	_ =	shalt  }
0x5a: {  	_ =	shalt  }
0x5b: {  	_ =	shalt  }
0x5c: {  	_ =	shalt  }
0x5d: {  	_ =	shalt  }
0x5e: {  	_ =	shalt  }
0x5f: {  	_ =	shalt  }
0x60: {  	_ =	shalt  }
0x61: {  	_ =	shalt  }
0x62: {  	_ =	shalt  }
0x63: {  	_ =	shalt  }
0x64: {  	_ =	shalt  }
0x65: {  	_ =	shalt  }
0x66: {  	_ =	shalt  }
0x67: {  	_ =	shalt  }
0x68: {  	_ =	shalt  }
0x69: {  	_ =	shalt  }
0x6a: {  	_ =	shalt  }
0x6b: {  	_ =	shalt  }
0x6c: {  	_ =	shalt  }
0x6d: {  	_ =	shalt  }
0x6e: {  	_ =	shalt  }
0x6f: {  	_ =	shalt  }
0x70: {  	_ =	shalt  }
0x71: {  	_ =	shalt  }
0x72: {  	_ =	shalt  }
0x73: {  	_ =	shalt  }
0x74: {  	_ =	shalt  }
0x75: {  	_ =	shalt  }
0x76: {  	_ =	shalt  }
0x77: {  	_ =	shalt  }
0x78: {  	_ =	shalt  }
0x79: {  	_ =	shalt  }
0x7a: {  	_ =	shalt  }
0x7b: {  	_ =	shalt  }
0x7c: {  	_ =	shalt  }
0x7d: {  	_ =	shalt  }
0x7e: {  	_ =	shalt  }
0x7f: {  	_ =	shalt  }
0x80: {  	_ =	shalt  }
0x81: {  	_ =	shalt  }
0x82: {  	_ =	shalt  }
0x83: {  	_ =	shalt  }
0x84: {  	_ =	shalt  }
0x85: {  	_ =	shalt  }
0x86: {  	_ =	shalt  }
0x87: {  	_ =	shalt  }
.Lfunc_end0:
.L_simem_size_0:
called_computation_lowered:
.L_overlay_start_0:
0x88: {  	s2 =	sld [smem:$0x3FD9]  }
0x89: {  	s3 =	sld [smem:$0x3FFE];
	_ =	sdelay $0x1  }
0x8a: {  	s1 =	srdreg.scid  }
0x8b: {  	s0 =	sand.u32 $0x1, s1  }
0x8c: {  	s18 =	sshll.u32 s0, $0xA;
	s2 =	sadd.s32 s3, s2  }
0x8d: {  	s2 =	sadd.s32 s2, s18  }
0x8e: {  	[smem:$0x3FC6] =	sst s2  }
0x8f: {  	_ = 	snop  }
0x90: {  	s2 =	sld [smem:$0x3FC9]  }
0x91: {  	s19 =	sld [smem:$0x3FC8]  }
0x92: {  	s4 =	sld [smem:$0x3FD0];
	(tm) =	ssettm $0x1  }
0x93: {  	s5 =	sld [smem:$0x3FFB];
	_ =	sdelay $0x3  }
0x94: {  	_ =	strace s5  }
0x95: {  	s5 =	sld [smem:$0x3FFC];
	_ =	sdelay $0x3  }
0x96: {  	_ =	strace s5  }
0x97: {  	s5 =	sld [smem:$0x3FFD];
	_ =	sdelay $0x3  }
0x98: {  	_ =	strace s5  }
0x99: {  	_ =	strace $0x8FFFFFFF  }
0x9a: {  	s20 =	sld [smem:$0x3FDB];
	_ =	sdelay $0x1  }
0x9b: {  	s6 =	simm.s32 $_scs_section_size  }
0x9c: {  	s7 =	simm.s32 $_size__tile_overlayer_lowered;
	s8 =	simm.s32 $_tile_overlayer_lowered  }
0x9d: {  	s23 =	simm.s32 $0x1BFF;
	s22 =	sshll.u32 s8, $0x1;
	s5 =	sadd.s32 s6, s20  }
0x9e: {  	s9 =	simm.s32 $0x0;
	s21 =	sshll.u32 s7, $0x1;
	s7 =	sadd.s32 s22, s5  }
0x9f: {  	[timem:s9], [sflag:s23] =	dma.local [hbm:s7], s21  }
0xa0: {  	_ =	swait.ge [sflag:s23], s21  }
0xa1: {  	s6 =	ssub.s32 $0x0, s21;
	[sflag:s23] =	ssyncset.done $0x0  }
0xa2: {  	[sflag:s23] =	ssyncadd.s32 s6;
	_ =	sdelay $0x1  }
0xa3: {  	s24 =	simm.s32 $0x1B8B  }
0xa4: {  	_ =	swait.ge [sflag:s24], $0x1  }
0xa5: {  	[sflag:s24] =	ssyncset.done $0x0  }
0xa6: {  	s25 =	simm.s32 $0x1B8E;
	[sflag:s24] =	ssyncadd.s32 $0xFFFFFFFF  }
0xa7: {  	s26 =	simm.s32 $execute0_lowered;
	[smem:$0x3FD2] =	sst s25  }
0xa8: {  	s6 =	sshll.u32 s26, $0x1;
	_ =	strace $0x80000046;
	[dreg:$0x1] =	wrdreg $0xFFFFFFFF  }
0xa9: {  	s28 =	simm.s32 $_size_execute0_lowered;
	s5 =	sadd.s32 s5, s6;
	[dreg:$0x0] =	wrdreg $0x0  }
0xaa: {  	s6 =	sshll.u32 s28, $0x1;
	[dreg:$0x2] =	wrdreg s5  }
0xab: {  	[dreg:$0x3] =	wrdreg s6  }
0xac: {  	[dreg:$0x4] =	wrdreg $0xC0  }
0xad: {  	_ =	task [dreg:s9], $0x5FFFF  }
0xae: {  	[dreg:$0x1] =	wrdreg $0xFFFFFFFF  }
0xaf: {  	[dreg:$0x0] =	wrdreg $0x60  }
0xb0: {  	[dreg:$0x2] =	wrdreg s2  }
0xb1: {  	[dreg:$0x3] =	wrdreg s19  }
0xb2: {  	[dreg:$0x4] =	wrdreg s4  }
0xb3: {  	[dreg:$0x5] =	wrdreg $0x64000  }
0xb4: {  	[dreg:$0x6] =	wrdreg $0x9  }
0xb5: {  	_ =	task.clear_ibuf [dreg:s9], $0x7FFFF;
	_ =	strace $0x90000046  }
0xb6: {  	s29 =	simm.s32 $0x9;
	_ =	strace $0x80000048  }
0xb7: {  	_ =	swait.ge [sflag:s29], $0x1  }
0xb8: {  	[sflag:s29] =	ssyncadd.s32 $0xFFFFFFFF  }
0xb9: {  	_ =	strace $0x90000048  }
0xba: {  	_ =	sfence  }
0xbb: {  	s30 =	sld [smem:$0x0];
	_ =	sdelay $0x2  }
0xbc: {  	s31 =	sshll.u32 s1, $0xD;
	s1 =	sshrl.u32 s1, $0x2  }
0xbd: {  	s3 =	sand.u32 $0x4000, s31;
	s1 =	sadd.s32 s1, s30  }
0xbe: {  	s0 =	sor.u32 s3, s0;
	s1 =	sshll.u32 s1, $0x11  }
0xbf: {  	s0 =	sor.u32 s1, s0  }
0xc0: {  	s0 =	sadd.s32 $0x8F2B, s0  }
0xc1: {  	[sflag:s0] =	ssyncadd.remote.s32 $0x1  }
0xc2: {  	_ =	sfence.sel $0xFFFF  }
0xc3: {  	[dreg:$0x0] =	wrdreg $0xFFFFFFFF;
	(pc) =	sbr.abs _section_cstart, $3  }
0xc4: {  	[dreg:$0x1] =	wrdreg $0xFFFFFFFF  }
0xc5: {  	_ =	task.clear_ibuf [dreg:s9], $0x2FFFF;
	_ =	strace $0x9FFFFFFF  }
0xc6: {  	(tm) =	ssettm $0x7FFFFFFF  }
0xc7: {  	_ =	shalt  }
tec
execute0_lowered:
.L_overlay_start_1:
0x0: {  	(tag) =	ssettag $0x1  }
0x1: {  	s0 =	rddreg [dreg:$0x0]  }
0x2: {  	s1 =	rddreg [dreg:$0x1]  }
0x3: {  	s2 =	rddreg [dreg:$0x2]  }
0x4: {  	s3 =	srdreg.scid;
	s14 =	stileid.u32  }
0x5: {  	s5 =	rddreg [dreg:$0x3];
	s11 =	simm.s32 $0x80;
	s12 =	simm.s32 $0xE400  }
0x6: {  	s13 =	simm.s32 $0x12400;
	s15 =	simm.s32 $0x16400;
	s17 =	simm.s32 $0x1A400  }
0x7: {  	s18 =	simm.s32 $0x1;
	s19 =	simm.s32 $0x9;
	s20 =	simm.s32 $0x2  }
0x8: {  	s28 =	simm.s32 $0x6;
	s29 =	simm.s32 $0x7;
	s30 =	simm.s32 $0x8  }
0x9: {  	s31 =	simm.s32 $0x0;
	s7 =	sand.u32 $0x1, s3;
	s4 =	sshll.u32 s14, $0x1  }
0xa: {  	s3 =	simm.s32 $0x0;
	s9 =	smul.u32 $0x640000, s14;
	s21 =	sshll.u32 s14, $0xF  }
0xb: {  	s22 =	smul.u32 $0xC8000, s14;
	s26 =	sshll.u32 s14, $0x6;
	s4 =	sor.u32 s7, s4  }
0xc: {  	[smem:$0x7FF] =	sst s3;
	s6 =	ssub.s32 $0x2, s7;
	s10 =	smul.u32 $0x320000, s7  }
0xd: {  	s5 =	sadd.s32 s21, s5;
	s23 =	smul.u32 $0x64000, s7;
	s21 =	simm.s32 $0x5  }
0xe: {  	s4 =	smul.u32 $0xC80, s4;
	_ =	strace $0x80000047;
	s8 =	sshrl.u32 s6, $0x1  }
0xf: {  	s8 =	ssub.s32 s6, s8;
	s6 =	sadd.s32 $0x4000, s5;
	s9 =	sadd.s32 s10, s9  }
.Ltmp0:
0x10: {  	s10 =	simm.s32 $0xA;
	s0 =	sadd.s32 s0, s4;
	(pc) =	sbr.rel .LBB2_1-.Ltmp0, $4  }
0x11: {  	s24 =	smax.u32 s8, $0x1;
	s25 =	sshrl.u32 s9, $0x3;
	[dreg:$0x5] =	wrdreg s0  }
0x12: {  	[dreg:$0x6] =	wrdreg s24;
	s0 =	sadd.s32 s22, s2;
	s8 =	sadd.s32 s25, s2  }
0x13: {  	s22 =	sor.u32 $0x1C07, s26;
	s24 =	simm.s32 $0x3;
	s25 =	sor.u32 $0x1C08, s26  }
0x14: {  	s26 =	simm.s32 $0x4;
	s9 =	sadd.s32 s23, s0;
	s23 =	sshrl.u32 s5, $0x3  }
.LBB2_4:
0x15: {  	_ =	swait.ge [sflag:s29], $0x800  }
0x16: {  	[sflag:s29] =	ssyncset.done $0x0  }
0x17: {  	[sflag:s29] =	ssyncadd.s32 $0xFFFFF800  }
0x18: {  	_ =	swait.ge [sflag:s30], $0x800  }
0x19: {  	s31 =	sadd.s32 $0x1, s31;
	s0 =	rddreg [dreg:$0x6]  }
0x1a: {  	p0 =	sne.s32 s31, s0  }
.Ltmp1:
0x1b: {  	_ = 	snop;
	(pc) =	sbr.rel @!p0 .LBB2_5-.Ltmp1, $3  }
0x1c: {  	_ =	sdelay $0x1  }
0x1d: {  	[sflag:s30] =	ssyncset.done $0x0  }
0x1e: {  	[sflag:s30] =	ssyncadd.s32 $0xFFFFF800  }
.LBB2_1:
0x1f: {  	s0 =	rddreg [dreg:$0x5]  }
0x20: {  	[tilespmem:s3], [sflag:$0xA] =	stream.linear.gather [hbm4b:s0+s3], $0x6400, $0x38;
	[tilespmem:$0x1E400] =	vst v63  }
0x21: {  	_ =	swait.ge [sflag:s10], $0x6400  }
0x22: {  	[sflag:s10] =	ssyncset.done $0x0  }
0x23: {  	[sflag:s10] =	ssyncadd.s32 $0xFFFF9C00  }
0x24: {  	[tilespmem:s12], [sflag:$0x1] =	stream.indirect.gather [hbm4b:s1+s11], $0x80, s3, s11, $0xb8;
	[tilespmem:$0x1E400] =	vst v63  }
0x25: {  	_ = 	snop  }
0x26: {  	[tilespmem:s13], [sflag:$0x2] =	stream.indirect.gather [hbm4b:s1+s11], $0x80, s11, s11, $0xb8;
	[tilespmem:$0x1E400] =	vst v63  }
0x27: {  	s14 =	simm.s32 $0x100  }
0x28: {  	[tilespmem:s15], [sflag:$0x3] =	stream.indirect.gather [hbm4b:s1+s11], $0x80, s14, s11, $0xb8;
	[tilespmem:$0x1E400] =	vst v63  }
0x29: {  	s16 =	simm.s32 $0x180;
	s2 =	simm.s32 $0x200;
	s0 =	simm.s32 $0x0  }
0x2a: {  	[tilespmem:s17], [sflag:$0x4] =	stream.indirect.gather [hbm4b:s1+s11], $0x80, s16, s11, $0xb8;
	[tilespmem:$0x1E400] =	vst v63  }
.LBB2_2:
0x2b: {  	_ =	swait.ge [sflag:s18], $0x4000  }
0x2c: {  	[sflag:s18] =	ssyncset.done $0x0  }
0x2d: {  	s14 =	sadd.s32 s0, s8;
	[sflag:s18] =	ssyncadd.s32 $0xFFFFC000  }
0x2e: {  	[hbm4b:s14+s3] =	stream.linear.scatter [tilespmem:s12], [sflag:$0x9], $0x4000, $0x38;
	[tilespmem:$0x1E400] =	vst v63  }
0x2f: {  	_ =	swait.ge [sflag:s19], $0x4000  }
0x30: {  	p0 =	seq.s32 s0, $0x62000;
	[sflag:s19] =	ssyncset.done $0x0  }
0x31: {  	s16 =	simm.s32 @!p0 $0xE400;
	s14 =	simm.s32 @!p0 $0x80;
	[sflag:s19] =	ssyncadd.s32 $0xFFFFC000  }
0x32: {  	[tilespmem:s16], [sflag:$0x1] =	stream.indirect.gather @!p0 [hbm4b:s1+s14], $0x80, s2, s14, $0xb8;
	[tilespmem:$0x1E400] =	vst v63  }
0x33: {  	_ =	swait.ge [sflag:s20], $0x4000  }
0x34: {  	p1 =	seq.s32 s0, $0x0;
	[sflag:s20] =	ssyncset.done $0x0  }
0x35: {  	s16 =	simm.s32 @!p1 $0x7;
	[sflag:s20] =	ssyncadd.s32 $0xFFFFC000  }
0x36: {  	_ =	swait.ge @!p1 [sflag:s16], $0x800  }
0x37: {  	[sflag:s16] =	ssyncset.done @!p1 $0x0  }
0x38: {  	[sflag:s16] =	ssyncadd.s32 @!p1 $0xFFFFF800  }
0x39: {  	[spmem:s5] =	stream.linear.scatter [tilespmem:s13], [sflag:$0x5], $0x4000, $0x38;
	[tilespmem:$0x1E400] =	vst v63  }
0x3a: {  	_ =	swait.ge [sflag:s21], $0x4000  }
0x3b: {  	s16 =	sadd.s32 s0, s9;
	[sflag:s21] =	ssyncset.done $0x0  }
0x3c: {  	s4 =	sadd.s32 $0x800, s16;
	[sflag:s21] =	ssyncadd.s32 $0xFFFFC000  }
0x3d: {  	[hbm:s4], [sflag:s22] =	dma.local [spmem:s23], $0x800  }
0x3e: {  	s7 =	simm.s32 @!p0 $0x12400;
	s4 =	sadd.s32 @!p0 $0x80, s2  }
0x3f: {  	[tilespmem:s7], [sflag:$0x2] =	stream.indirect.gather @!p0 [hbm4b:s1+s14], $0x80, s4, s14, $0xb8;
	[tilespmem:$0x1E400] =	vst v63  }
0x40: {  	_ =	swait.ge [sflag:s24], $0x4000  }
0x41: {  	[sflag:s24] =	ssyncset.done $0x0  }
0x42: {  	s7 =	sadd.s32 $0x1000, s16;
	[sflag:s24] =	ssyncadd.s32 $0xFFFFC000  }
0x43: {  	[hbm4b:s7+s3] =	stream.linear.scatter [tilespmem:s15], [sflag:$0x9], $0x4000, $0x38;
	[tilespmem:$0x1E400] =	vst v63  }
0x44: {  	_ =	swait.ge [sflag:s19], $0x4000  }
0x45: {  	[sflag:s19] =	ssyncset.done $0x0  }
0x46: {  	s4 =	sadd.s32 @!p0 $0x100, s2;
	s7 =	simm.s32 @!p0 $0x16400;
	[sflag:s19] =	ssyncadd.s32 $0xFFFFC000  }
0x47: {  	[tilespmem:s7], [sflag:$0x3] =	stream.indirect.gather @!p0 [hbm4b:s1+s14], $0x80, s4, s14, $0xb8;
	[tilespmem:$0x1E400] =	vst v63  }
0x48: {  	_ =	swait.ge [sflag:s26], $0x4000  }
0x49: {  	[sflag:s26] =	ssyncset.done $0x0  }
0x4a: {  	s4 =	simm.s32 @!p1 $0x8;
	[sflag:s26] =	ssyncadd.s32 $0xFFFFC000  }
0x4b: {  	_ =	swait.ge @!p1 [sflag:s4], $0x800  }
0x4c: {  	[sflag:s4] =	ssyncset.done @!p1 $0x0  }
0x4d: {  	[sflag:s4] =	ssyncadd.s32 @!p1 $0xFFFFF800  }
0x4e: {  	[spmem:s6] =	stream.linear.scatter [tilespmem:s17], [sflag:$0x6], $0x4000, $0x38;
	[tilespmem:$0x1E400] =	vst v63  }
.Ltmp2:
0x4f: {  	_ = 	snop;
	(pc) =	sbr.rel @p0 .LBB2_4-.Ltmp2, $4  }
0x50: {  	_ =	swait.ge [sflag:s28], $0x4000  }
0x51: {  	[sflag:s28] =	ssyncset.done $0x0  }
0x52: {  	s14 =	sadd.s32 $0x1800, s16;
	s16 =	sshrl.u32 s6, $0x3;
	[sflag:s28] =	ssyncadd.s32 $0xFFFFC000  }
0x53: {  	[hbm:s14], [sflag:s25] =	dma.local [spmem:s16], $0x800  }
.Ltmp3:
0x54: {  	(pc) =	sbr.rel .LBB2_2-.Ltmp3, $3  }
0x55: {  	_ =	sdelay $0x1  }
0x56: {  	s4 =	sadd.s32 $0x180, s2;
	s0 =	sadd.s32 $0x2000, s0;
	s2 =	sadd.s32 $0x200, s2  }
0x57: {  	[tilespmem:s17], [sflag:$0x4] =	stream.indirect.gather [hbm4b:s1+s11], $0x80, s4, s11, $0xb8;
	[tilespmem:$0x1E400] =	vst v63  }
.LBB2_5:
0x58: {  	_ =	sfence.sel $0x180000  }
0x59: {  	[bflag:$0x0] =	sbarrier.arrive $0xFFFF  }
0x5a: {  	_ =	strace $0x90000047  }
0x5b: {  	s0 =	stileid.u32;
	[bflag:$0x2] =	sbarrier.arrive $0xFFFF  }
0x5c: {  	p0 =	sne.s32 s0, $0x0;
	s0 =	rddreg [dreg:$0x4]  }
0x5d: {  	s0 =	sadd.s32 @!p0 $0x100000, s0  }
0x5e: {  	[sflag:s0] =	ssyncadd.tile.s32 @!p0 $0x1;
	_ =	shalt  }
.Lfunc_end2:
_tile_overlayer_lowered:
.L_overlay_start_2:
0x5f: {  	(tag) =	ssettag $0x2  }
0x60: {  	s0 =	rddreg [dreg:$0x0];
	s2 =	stileid.u32  }
0x61: {  	s1 =	rddreg [dreg:$0x1];
	p0 =	sne.s32 s2, $0x0  }
0x62: {  	s3 =	rddreg [dreg:$0x2];
	[bflag:$0x3] =	sbarrier.arrive $0xFFFF;
	s2 =	simm.s32 @!p0 $0x1C0A  }
0x63: {  	[timem:s3], [sflag:s2] =	dma.local @!p0 [hbm:s0], s1  }
0x64: {  	s0 =	simm.s32 @!p0 $0xA  }
0x65: {  	_ =	swait.ge @!p0 [sflag:s0], s1  }
0x66: {  	s1 =	ssub.s32 @!p0 $0x0, s1;
	[sflag:s0] =	ssyncset.done @!p0 $0x0  }
0x67: {  	[sflag:s0] =	ssyncadd.s32 @!p0 s1  }
0x68: {  	[bflag:$0x3] =	sbarrier.arrive $0xFFFF  }
0x69: {  	_ =	shalt  }

</sc_bundles>
